<compile_context>
chip_gen: v7x
topology: tpu7x:2x2x1
jax: 0.10.2.dev20260603
libtpu: 0.0.44.dev20260713+nightly
codegen_flags: <defaults>
</compile_context>

<pallas_src>
import functools
import math

import numpy as np
import jax
from jax import lax
import jax.numpy as jnp
from jax.experimental import pallas as pl
from jax.experimental.pallas import tpu as pltpu
from jax.experimental.pallas import tpu_sc as plsc

L = 4096
D = 512
U = 45
UPAD = 64
BLK = 512
NB = L // BLK

_consts = {}


def _np_threefry2x32(k1, k2, x0, x1):
    def rotl(x, d):
        return ((x << np.uint32(d)) | (x >> np.uint32(32 - d))).astype(np.uint32)

    rotations = [[13, 15, 26, 6], [17, 29, 16, 24]]
    ks = [np.uint32(k1), np.uint32(k2),
          np.uint32(k1) ^ np.uint32(k2) ^ np.uint32(0x1BD11BDA)]
    with np.errstate(over="ignore"):
        x = [(x0 + ks[0]).astype(np.uint32), (x1 + ks[1]).astype(np.uint32)]
        for i in range(5):
            for r in rotations[i % 2]:
                x[0] = (x[0] + x[1]).astype(np.uint32)
                x[1] = x[0] ^ rotl(x[1], r)
            x[0] = (x[0] + ks[(i + 1) % 3]).astype(np.uint32)
            x[1] = (x[1] + ks[(i + 2) % 3] + np.uint32(i + 1)).astype(np.uint32)
    return x[0], x[1]


def _np_random_bits(key, n):
    cnt = np.arange(n, dtype=np.uint64)
    hi = (cnt >> np.uint64(32)).astype(np.uint32)
    lo = cnt.astype(np.uint32)
    b1, b2 = _np_threefry2x32(key[0], key[1], hi, lo)
    return b1 ^ b2


def _np_sample_indices() -> np.ndarray:
    hi = np.zeros(2, np.uint32)
    lo = np.arange(2, dtype=np.uint32)
    b1, b2 = _np_threefry2x32(np.uint32(0), np.uint32(42), hi, lo)
    k1 = (b1[0], b2[0])
    k2 = (b1[1], b2[1])
    higher = _np_random_bits(k1, L * U)
    lower = _np_random_bits(k2, L * U)
    span = np.uint32(L)
    mult = np.uint32((np.uint64(2 ** 16) % np.uint64(L)) ** 2 % np.uint64(L))
    with np.errstate(over="ignore"):
        off = ((higher % span) * mult + lower % span) % span
    return off.astype(np.int32).reshape(L, U)


def _cnt_matrix() -> np.ndarray:
    if "cnt" not in _consts:
        idx = _np_sample_indices()
        cnt = np.zeros((L, L), np.int8)
        np.add.at(cnt, (np.arange(L)[:, None], idx), 1)
        _consts["cnt"] = cnt
    return _consts["cnt"]


def _tril_matrix() -> np.ndarray:
    if "tril" not in _consts:
        _consts["tril"] = np.tril(np.ones((BLK, BLK), np.float32))
    return _consts["tril"]


def _kv_body(x_ref, wk_ref, wv_ref, b_ref, k_ref, v_ref):
    x = x_ref[...]
    k_ref[...] = jnp.dot(x, wk_ref[...], preferred_element_type=jnp.float32) + b_ref[1:2, :]
    v_ref[...] = jnp.dot(x, wv_ref[...], preferred_element_type=jnp.float32) + b_ref[2:3, :]


def _m_body(x_ref, wq_ref, b_ref, k_ref, cnt_ref, m_ref):
    q = jnp.dot(x_ref[...], wq_ref[...], preferred_element_type=jnp.float32) + b_ref[0:1, :]
    k = k_ref[...]
    s = jax.lax.dot_general(q, k, (((1,), (1,)), ((), ())),
                            preferred_element_type=jnp.float32)
    cnt = cnt_ref[...].astype(jnp.float32)
    smax = jnp.max(jnp.where(cnt > 0.0, s, -jnp.inf), axis=1)
    ssum = jnp.sum(cnt * s, axis=1)
    m_ref[...] = (smax - ssum * (1.0 / L))[None, None, :]


def _topk_body(m_ref, row_ref, col_ref):
    m = m_ref[...]
    colid = jax.lax.broadcasted_iota(jnp.int32, (1, L), 1)
    lane = jax.lax.broadcasted_iota(jnp.int32, (1, UPAD), 1)
    sub = jax.lax.broadcasted_iota(jnp.int32, (UPAD, 1), 0)

    def step(t, carry):
        m, orow, ocol = carry
        mx = jnp.max(m)
        idx = jnp.min(jnp.where(m == mx, colid, L))
        m = jnp.where(colid == idx, -jnp.inf, m)
        orow = jnp.where(lane == t, idx, orow)
        ocol = jnp.where(sub == t, idx, ocol)
        return m, orow, ocol

    _, orow, ocol = jax.lax.fori_loop(
        0, U, step,
        (m, jnp.zeros((1, UPAD), jnp.int32), jnp.zeros((UPAD, 1), jnp.int32)))
    row_ref[...] = orow
    col_ref[...] = ocol


def _attn_body(x_ref, wq_ref, b_ref, k_ref, v_ref, mcol_ref, upd_ref):
    mcol = mcol_ref[...]
    rsel = (jax.lax.broadcasted_iota(jnp.int32, (UPAD, L), 1) == mcol).astype(jnp.float32)
    xs = jnp.dot(rsel, x_ref[...], preferred_element_type=jnp.float32,
                 precision=jax.lax.Precision.HIGHEST)
    qs = jnp.dot(xs, wq_ref[...], preferred_element_type=jnp.float32) + b_ref[0:1, :]
    k = k_ref[...]
    s = jax.lax.dot_general(qs, k, (((1,), (1,)), ((), ())),
                            preferred_element_type=jnp.float32)
    s = s * (1.0 / math.sqrt(D))
    colid = jax.lax.broadcasted_iota(jnp.int32, (UPAD, L), 1)
    s = jnp.where(colid > mcol, -jnp.inf, s)
    mx = jnp.max(s, axis=1, keepdims=True)
    p = jnp.exp(s - mx)
    attn = p / jnp.sum(p, axis=1, keepdims=True)
    upd_ref[...] = jnp.dot(attn, v_ref[...], preferred_element_type=jnp.float32)


def _make_sc_cumsum():
    SEG = 512
    CB = 128
    NSEG = 8
    mesh = plsc.VectorSubcoreMesh(core_axis_name="c", subcore_axis_name="s")

    @functools.partial(
        pl.kernel, mesh=mesh,
        out_type=[
            jax.ShapeDtypeStruct((L, D), jnp.float32),
            jax.ShapeDtypeStruct((NSEG, D), jnp.float32),
        ],
        scratch_types=[
            pltpu.VMEM((SEG, CB), jnp.float32),
        ],
    )
    def sc_cumsum(v_hbm, out_hbm, tot_hbm, tile):
        c = lax.axis_index("c")
        s = lax.axis_index("s")
        cb = 2 * c + s // NSEG
        rs = s % NSEG
        row0 = rs * SEG
        col0 = cb * CB
        pltpu.sync_copy(v_hbm.at[pl.ds(row0, SEG), pl.ds(col0, CB)], tile)

        def body(r, accs):
            new = []
            for j in range(CB // 16):
                a = accs[j] + tile[r, pl.ds(j * 16, 16)]
                tile[r, pl.ds(j * 16, 16)] = a
                new.append(a)
            return tuple(new)

        lax.fori_loop(0, SEG, body,
                      tuple(jnp.zeros((16,), jnp.float32) for _ in range(CB // 16)))

        pltpu.sync_copy(tile, out_hbm.at[pl.ds(row0, SEG), pl.ds(col0, CB)])
        pltpu.sync_copy(tile.at[pl.ds(SEG - 1, 1), :],
                        tot_hbm.at[pl.ds(rs, 1), pl.ds(col0, CB)])

    return sc_cumsum


def _ctx_body(cs_ref, tot_ref, mrow_ref, upd_ref, wot_ref, bo_ref, out_ref):
    i = pl.program_id(0)
    seg = jax.lax.broadcasted_iota(jnp.int32, (NB, 1), 0)
    off = jnp.sum(jnp.where(seg < i, tot_ref[...], 0.0), axis=0, keepdims=True)
    ctx = cs_ref[...] + off

    rowid = jax.lax.broadcasted_iota(jnp.int32, (BLK, UPAD), 0) + i * BLK
    tid = jax.lax.broadcasted_iota(jnp.int32, (BLK, UPAD), 1)
    p = jnp.logical_and(rowid == mrow_ref[...], tid < U).astype(jnp.float32)
    sel = jnp.dot(p, upd_ref[...], preferred_element_type=jnp.float32)
    hit = jnp.sum(p, axis=1, keepdims=True) > 0.0
    ctx = jnp.where(hit, sel, ctx)

    out_ref[...] = jnp.dot(ctx, wot_ref[...], preferred_element_type=jnp.float32) + bo_ref[...]


def _build(interpret: bool = False):
    call = functools.partial(pl.pallas_call, interpret=interpret)

    kv = call(
        _kv_body,
        grid=(NB,),
        in_specs=[
            pl.BlockSpec((BLK, D), lambda i: (i, 0)),
            pl.BlockSpec((D, D), lambda i: (0, 0)),
            pl.BlockSpec((D, D), lambda i: (0, 0)),
            pl.BlockSpec((3, D), lambda i: (0, 0)),
        ],
        out_specs=[
            pl.BlockSpec((BLK, D), lambda i: (i, 0)),
            pl.BlockSpec((BLK, D), lambda i: (i, 0)),
        ],
        out_shape=[jax.ShapeDtypeStruct((L, D), jnp.float32)] * 2,
    )

    mst = call(
        _m_body,
        grid=(NB,),
        in_specs=[
            pl.BlockSpec((BLK, D), lambda i: (i, 0)),
            pl.BlockSpec((D, D), lambda i: (0, 0)),
            pl.BlockSpec((3, D), lambda i: (0, 0)),
            pl.BlockSpec((L, D), lambda i: (0, 0)),
            pl.BlockSpec((BLK, L), lambda i: (i, 0)),
        ],
        out_specs=pl.BlockSpec((1, 1, BLK), lambda i: (i, 0, 0)),
        out_shape=jax.ShapeDtypeStruct((NB, 1, BLK), jnp.float32),
    )

    topk = call(
        _topk_body,
        in_specs=[pl.BlockSpec((1, L), lambda: (0, 0))],
        out_specs=[
            pl.BlockSpec((1, UPAD), lambda: (0, 0)),
            pl.BlockSpec((UPAD, 1), lambda: (0, 0)),
        ],
        out_shape=[
            jax.ShapeDtypeStruct((1, UPAD), jnp.int32),
            jax.ShapeDtypeStruct((UPAD, 1), jnp.int32),
        ],
    )

    attn = call(
        _attn_body,
        in_specs=[
            pl.BlockSpec((L, D), lambda: (0, 0)),
            pl.BlockSpec((D, D), lambda: (0, 0)),
            pl.BlockSpec((3, D), lambda: (0, 0)),
            pl.BlockSpec((L, D), lambda: (0, 0)),
            pl.BlockSpec((L, D), lambda: (0, 0)),
            pl.BlockSpec((UPAD, 1), lambda: (0, 0)),
        ],
        out_specs=pl.BlockSpec((UPAD, D), lambda: (0, 0)),
        out_shape=jax.ShapeDtypeStruct((UPAD, D), jnp.float32),
    )

    ctx = call(
        _ctx_body,
        grid=(NB,),
        in_specs=[
            pl.BlockSpec((BLK, D), lambda i: (i, 0)),
            pl.BlockSpec((NB, D), lambda i: (0, 0)),
            pl.BlockSpec((1, UPAD), lambda i: (0, 0)),
            pl.BlockSpec((UPAD, D), lambda i: (0, 0)),
            pl.BlockSpec((D, D), lambda i: (0, 0)),
            pl.BlockSpec((1, D), lambda i: (0, 0)),
        ],
        out_specs=pl.BlockSpec((BLK, D), lambda i: (i, 0)),
        out_shape=jax.ShapeDtypeStruct((L, D), jnp.float32),
    )

    return kv, mst, topk, attn, ctx


def _run(queries, Wq, bq, Wk, bk, Wv, bv, Wo, bo, interpret=False):
    kv, mst, topk, attn, ctx = _build(interpret)
    x = queries.reshape(L, D)
    b_all = jnp.stack([bq, bk, bv], axis=0)
    k, v = kv(x, Wk.T, Wv.T, b_all)
    csum, tot = _make_sc_cumsum()(v)
    cnt = jnp.asarray(_cnt_matrix())
    m = mst(x, Wq.T, b_all, k, cnt)
    mrow, mcol = topk(m.reshape(1, L))
    upd = attn(x, Wq.T, b_all, k, v, mcol)
    out = ctx(csum, tot, mrow, upd, Wo.T, bo.reshape(1, D))
    return out.reshape(1, L, D)


def kernel(queries, Wq, bq, Wk, bk, Wv, bv, Wo, bo):
    return _run(queries, Wq, bq, Wk, bk, Wv, bv, Wo, bo, interpret=False)

# --- scband reference (transcript-rebuilt; emitter-appended) ---
"""Pipeline reference for scband-prob-attention-20925080666787 (READ-ONLY COPY).

The authoritative reference and input builder live on the scoring server;
editing this copy changes nothing except your own understanding.
"""

import jax, jax.numpy as jnp
import numpy as np
import math


def setup_inputs(seed: int = 0):
    key = jax.random.key(seed)
    ks = jax.random.split(key, 9)
    B, L, D = 1, 4096, 512
    s = 1.0 / math.sqrt(D)
    queries = jax.random.normal(ks[0], (B, L, D), dtype=jnp.float32)
    Wq = jax.random.uniform(ks[1], (D, D), jnp.float32, -s, s)
    bq = jax.random.uniform(ks[2], (D,), jnp.float32, -s, s)
    Wk = jax.random.uniform(ks[3], (D, D), jnp.float32, -s, s)
    bk = jax.random.uniform(ks[4], (D,), jnp.float32, -s, s)
    Wv = jax.random.uniform(ks[5], (D, D), jnp.float32, -s, s)
    bv = jax.random.uniform(ks[6], (D,), jnp.float32, -s, s)
    Wo = jax.random.uniform(ks[7], (D, D), jnp.float32, -s, s)
    bo = jax.random.uniform(ks[8], (D,), jnp.float32, -s, s)
    return {"queries": queries, "Wq": Wq, "bq": bq, "Wk": Wk, "bk": bk, "Wv": Wv, "bv": bv, "Wo": Wo, "bo": bo}


def reference(queries, Wq, bq, Wk, bk, Wv, bv, Wo, bo):
    # ProbAttention forward (Informer ProbSparse attention), mask_flag=True, factor=5, scale=None
    factor = 5
    B, L, D = queries.shape
    H = 1
    q = queries @ Wq.T + bq
    k = queries @ Wk.T + bk  # keys default to queries
    v = queries @ Wv.T + bv  # values default to queries
    Q = jnp.swapaxes(q.reshape(B, L, H, D), 1, 2)  # [B,1,L,D]
    K = jnp.swapaxes(k.reshape(B, L, H, D), 1, 2)
    V = jnp.swapaxes(v.reshape(B, L, H, D), 1, 2)
    L_K = L
    L_Q = L
    U_part = min(factor * int(np.ceil(np.log(L))), L_K)
    u = min(factor * int(np.ceil(np.log(L))), L_Q)
    # _prob_QK: randomly sample U_part keys per query
    index_sample = jax.random.randint(jax.random.key(42), (L_Q, U_part), 0, L_K)
    K_sample = K[:, :, index_sample, :]  # [B,H,L_Q,U_part,E]
    Q_K_sample = jnp.squeeze(jnp.matmul(Q[:, :, :, None, :], jnp.swapaxes(K_sample, -2, -1)))  # torch .squeeze(): with B=H=1 -> [L_Q, U_part]
    M = Q_K_sample.max(axis=-1) - Q_K_sample.sum(axis=-1) / L_K  # [L_Q]
    M_top = jax.lax.top_k(M, u)[1]  # [u]
    Q_reduce = Q[jnp.arange(B)[:, None, None], jnp.arange(H)[None, :, None], M_top, :]  # [1,1,u,E]
    scores_top = jnp.matmul(Q_reduce, jnp.swapaxes(K, -2, -1))  # [1,1,u,L_K]
    scale = 1.0 / math.sqrt(D)
    scores_top = scores_top * scale
    # _get_initial_context with mask_flag=True -> causal cumulative sum of V
    context = jnp.cumsum(V, axis=-2)  # [B,H,L,D]
    # ProbMask
    tri = jnp.triu(jnp.ones((L_Q, L_K), dtype=bool), 1)
    mask_ex = jnp.broadcast_to(tri[None, None, :, :], (B, H, L_Q, L_K))
    indicator = mask_ex[jnp.arange(B)[:, None, None], jnp.arange(H)[None, :, None], M_top, :]
    mask = indicator.reshape(scores_top.shape)
    scores_top = jnp.where(mask, -jnp.inf, scores_top)
    attn = jax.nn.softmax(scores_top, axis=-1)
    upd = jnp.matmul(attn, V)  # [1,1,u,D]
    context = context.at[jnp.arange(B)[:, None, None], jnp.arange(H)[None, :, None], M_top, :].set(upd)
    context = jnp.swapaxes(context, 1, 2).reshape(B, L, D)
    output = context @ Wo.T + bo
    return output

if __name__ == "__main__":
    import jax
    _d = setup_inputs()
    print(jax.jit(kernel)(*tuple(_d.values())))

</pallas_src>

<mosaic_0001>
#map = affine_map<(d0, d1) -> (0, 0)>
module attributes {stable_mosaic.version = 14 : i64} {
  func.func @sc_cumsum(%arg0: i32, %arg1: i32, %arg2: memref<4096x512xf32, #tpu.memory_space<hbm>>, %arg3: memref<4096x512xf32, #tpu.memory_space<hbm>>, %arg4: memref<8x512xf32, #tpu.memory_space<hbm>>, %arg5: memref<512x128xf32, #tpu.memory_space<vmem>>) attributes {dimension_semantics = [#tpu.dimension_semantics<core_parallel>, #tpu.dimension_semantics<subcore_parallel>], iteration_bounds = array<i64: 2, 16>, scalar_prefetch = 0 : i64, scratch_operands = 1 : i64, tpu.core_type = #tpu.core_type<sc_vector_subcore>, window_params = [{transform_indices = #map}, {transform_indices = #map}, {transform_indices = #map}]} {
    %mul3A = arith.constant 2 : i32
    %mul3A_0 = arith.muli %mul3A, %arg0 : i32
    %jit3A = arith.constant 8 : i32
    %div3A = arith.divsi %arg1, %jit3A : i32
    %sign3A = arith.constant 0 : i32
    %sign3A_1 = arith.cmpi sgt, %arg1, %sign3A : i32
    %sign3A_2 = arith.extui %sign3A_1 : i1 to i32
    %sign3A_3 = arith.constant 0 : i32
    %sign3A_4 = arith.cmpi slt, %arg1, %sign3A_3 : i32
    %sign3A_5 = arith.extui %sign3A_4 : i1 to i32
    %sign3A_6 = arith.subi %sign3A_2, %sign3A_5 : i32
    %sign3A_7 = arith.constant 0 : i32
    %sign3A_8 = arith.cmpi sgt, %jit3A, %sign3A_7 : i32
    %sign3A_9 = arith.extui %sign3A_8 : i1 to i32
    %sign3A_10 = arith.constant 0 : i32
    %sign3A_11 = arith.cmpi slt, %jit3A, %sign3A_10 : i32
    %sign3A_12 = arith.extui %sign3A_11 : i1 to i32
    %sign3A_13 = arith.subi %sign3A_9, %sign3A_12 : i32
    %ne3A = arith.cmpi ne, %sign3A_6, %sign3A_13 : i32
    %rem3A = arith.remsi %arg1, %jit3A : i32
    %ne3A_14 = arith.constant 0 : i32
    %ne3A_15 = arith.cmpi ne, %rem3A, %ne3A_14 : i32
    %and3A = arith.andi %ne3A, %ne3A_15 : i1
    %sub3A = arith.constant 1 : i32
    %sub3A_16 = arith.subi %div3A, %sub3A : i32
    %select_n3A = arith.select %and3A, %sub3A_16, %div3A : i32
    %add3A = arith.addi %mul3A_0, %select_n3A : i32
    %jit3A_17 = arith.constant 8 : i32
    %eq3A = arith.constant 0 : i32
    %eq3A_18 = arith.cmpi eq, %jit3A_17, %eq3A : i32
    %jit3A_19 = arith.constant 1 : i32
    %select_n3A_20 = arith.select %eq3A_18, %jit3A_19, %jit3A_17 : i32
    %rem3A_21 = arith.remsi %arg1, %select_n3A_20 : i32
    %ne3A_22 = arith.constant 0 : i32
    %ne3A_23 = arith.cmpi ne, %rem3A_21, %ne3A_22 : i32
    %lt3A = arith.constant 0 : i32
    %lt3A_24 = arith.cmpi slt, %rem3A_21, %lt3A : i32
    %lt3A_25 = arith.constant 0 : i32
    %lt3A_26 = arith.cmpi slt, %select_n3A_20, %lt3A_25 : i32
    %ne3A_27 = arith.xori %lt3A_24, %lt3A_26 : i1
    %and3A_28 = arith.andi %ne3A_27, %ne3A_23 : i1
    %add3A_29 = arith.addi %rem3A_21, %select_n3A_20 : i32
    %select_n3A_30 = arith.select %and3A_28, %add3A_29, %rem3A_21 : i32
    %mul3A_31 = arith.constant 512 : i32
    %mul3A_32 = arith.muli %select_n3A_30, %mul3A_31 : i32
    %mul3A_33 = arith.constant 128 : i32
    %mul3A_34 = arith.muli %add3A, %mul3A_33 : i32
    "tpu.region"() ({
      %run_scoped3A = tpu.sem_alloc : memref<!tpu.dma_semaphore, #tpu.memory_space<semaphore_mem>>
      %dma_start3A = tpu.memref_slice %arg2[%mul3A_32, %mul3A_34] : memref<4096x512xf32, #tpu.memory_space<hbm>> -> memref<512x128xf32, #tpu.memory_space<hbm>>
      %dma_start3A_55 = tpu.memref_slice %arg2[%mul3A_32, %mul3A_34] : memref<4096x512xf32, #tpu.memory_space<hbm>> -> memref<512x128xf32, #tpu.memory_space<hbm>>
      tpu.enqueue_dma source(%dma_start3A_55 : memref<512x128xf32, #tpu.memory_space<hbm>>) target(%arg5 : memref<512x128xf32, #tpu.memory_space<vmem>>) target_semaphore(%run_scoped3A : memref<!tpu.dma_semaphore, #tpu.memory_space<semaphore_mem>>)
      %dma_wait3A = tpu.memref_slice %arg2[%mul3A_32, %mul3A_34] : memref<4096x512xf32, #tpu.memory_space<hbm>> -> memref<512x128xf32, #tpu.memory_space<hbm>>
      %dma_wait3A_56 = tpu.memref_slice %arg2[%mul3A_32, %mul3A_34] : memref<4096x512xf32, #tpu.memory_space<hbm>> -> memref<512x128xf32, #tpu.memory_space<hbm>>
      tpu.wait_dma2 semaphore(%run_scoped3A : memref<!tpu.dma_semaphore, #tpu.memory_space<semaphore_mem>>) src(%dma_wait3A_56 : memref<512x128xf32, #tpu.memory_space<hbm>>) dst(%arg5 : memref<512x128xf32, #tpu.memory_space<vmem>>)
      tpu.yield
    }) : () -> ()
    %broadcast_in_dim3A = arith.constant 0.000000e+00 : f32
    %broadcast_in_dim3A_35 = vector.broadcast %broadcast_in_dim3A : f32 to vector<16xf32>
    %broadcast_in_dim3A_36 = arith.constant 0.000000e+00 : f32
    %broadcast_in_dim3A_37 = vector.broadcast %broadcast_in_dim3A_36 : f32 to vector<16xf32>
    %broadcast_in_dim3A_38 = arith.constant 0.000000e+00 : f32
    %broadcast_in_dim3A_39 = vector.broadcast %broadcast_in_dim3A_38 : f32 to vector<16xf32>
    %broadcast_in_dim3A_40 = arith.constant 0.000000e+00 : f32
    %broadcast_in_dim3A_41 = vector.broadcast %broadcast_in_dim3A_40 : f32 to vector<16xf32>
    %broadcast_in_dim3A_42 = arith.constant 0.000000e+00 : f32
    %broadcast_in_dim3A_43 = vector.broadcast %broadcast_in_dim3A_42 : f32 to vector<16xf32>
    %broadcast_in_dim3A_44 = arith.constant 0.000000e+00 : f32
    %broadcast_in_dim3A_45 = vector.broadcast %broadcast_in_dim3A_44 : f32 to vector<16xf32>
    %broadcast_in_dim3A_46 = arith.constant 0.000000e+00 : f32
    %broadcast_in_dim3A_47 = vector.broadcast %broadcast_in_dim3A_46 : f32 to vector<16xf32>
    %broadcast_in_dim3A_48 = arith.constant 0.000000e+00 : f32
    %broadcast_in_dim3A_49 = vector.broadcast %broadcast_in_dim3A_48 : f32 to vector<16xf32>
    %scan3A = arith.constant 0 : i32
    %scan3A_50 = arith.constant 512 : i32
    %scan3A_51 = arith.addi %scan3A, %scan3A_50 : i32
    %scan3A_52 = arith.constant 1 : i32
    %scan3A_53:8 = scf.for %scan3A_55 = %scan3A to %scan3A_51 step %scan3A_52 iter_args(%scan3A_56 = %broadcast_in_dim3A_35, %scan3A_57 = %broadcast_in_dim3A_37, %scan3A_58 = %broadcast_in_dim3A_39, %scan3A_59 = %broadcast_in_dim3A_41, %scan3A_60 = %broadcast_in_dim3A_43, %scan3A_61 = %broadcast_in_dim3A_45, %scan3A_62 = %broadcast_in_dim3A_47, %scan3A_63 = %broadcast_in_dim3A_49) -> (vector<16xf32>, vector<16xf32>, vector<16xf32>, vector<16xf32>, vector<16xf32>, vector<16xf32>, vector<16xf32>, vector<16xf32>)  : i32 {
      %get3A = arith.index_cast %scan3A_55 : i32 to index
      %get3A_64 = arith.constant 0 : index
      %get3A_65 = tpu.vector_load %arg5[%get3A, %get3A_64] {strides = array<i32>} : memref<512x128xf32, #tpu.memory_space<vmem>>, vector<1x16xf32>,
      %get3A_66 = vector.shape_cast %get3A_65 : vector<1x16xf32> to vector<16xf32>
      %add3A_67 = arith.addf %scan3A_56, %get3A_66 : vector<16xf32>
      %swap3A = arith.index_cast %scan3A_55 : i32 to index
      %swap3A_68 = arith.constant 0 : index
      %swap3A_69 = tpu.vector_load %arg5[%swap3A, %swap3A_68] {strides = array<i32>} : memref<512x128xf32, #tpu.memory_space<vmem>>, vector<1x16xf32>,
      %swap3A_70 = vector.shape_cast %swap3A_69 : vector<1x16xf32> to vector<16xf32>
      %swap3A_71 = vector.shape_cast %add3A_67 : vector<16xf32> to vector<1x16xf32>
      tpu.vector_store %arg5[%swap3A, %swap3A_68], %swap3A_71 {strides = array<i32>} : memref<512x128xf32, #tpu.memory_space<vmem>>, vector<1x16xf32>,
      %get3A_72 = arith.index_cast %scan3A_55 : i32 to index
      %get3A_73 = arith.constant 16 : index
      %get3A_74 = tpu.vector_load %arg5[%get3A_72, %get3A_73] {strides = array<i32>} : memref<512x128xf32, #tpu.memory_space<vmem>>, vector<1x16xf32>,
      %get3A_75 = vector.shape_cast %get3A_74 : vector<1x16xf32> to vector<16xf32>
      %add3A_76 = arith.addf %scan3A_57, %get3A_75 : vector<16xf32>
      %swap3A_77 = arith.index_cast %scan3A_55 : i32 to index
      %swap3A_78 = arith.constant 16 : index
      %swap3A_79 = tpu.vector_load %arg5[%swap3A_77, %swap3A_78] {strides = array<i32>} : memref<512x128xf32, #tpu.memory_space<vmem>>, vector<1x16xf32>,
      %swap3A_80 = vector.shape_cast %swap3A_79 : vector<1x16xf32> to vector<16xf32>
      %swap3A_81 = vector.shape_cast %add3A_76 : vector<16xf32> to vector<1x16xf32>
      tpu.vector_store %arg5[%swap3A_77, %swap3A_78], %swap3A_81 {strides = array<i32>} : memref<512x128xf32, #tpu.memory_space<vmem>>, vector<1x16xf32>,
      %get3A_82 = arith.index_cast %scan3A_55 : i32 to index
      %get3A_83 = arith.constant 32 : index
      %get3A_84 = tpu.vector_load %arg5[%get3A_82, %get3A_83] {strides = array<i32>} : memref<512x128xf32, #tpu.memory_space<vmem>>, vector<1x16xf32>,
      %get3A_85 = vector.shape_cast %get3A_84 : vector<1x16xf32> to vector<16xf32>
      %add3A_86 = arith.addf %scan3A_58, %get3A_85 : vector<16xf32>
      %swap3A_87 = arith.index_cast %scan3A_55 : i32 to index
      %swap3A_88 = arith.constant 32 : index
      %swap3A_89 = tpu.vector_load %arg5[%swap3A_87, %swap3A_88] {strides = array<i32>} : memref<512x128xf32, #tpu.memory_space<vmem>>, vector<1x16xf32>,
      %swap3A_90 = vector.shape_cast %swap3A_89 : vector<1x16xf32> to vector<16xf32>
      %swap3A_91 = vector.shape_cast %add3A_86 : vector<16xf32> to vector<1x16xf32>
      tpu.vector_store %arg5[%swap3A_87, %swap3A_88], %swap3A_91 {strides = array<i32>} : memref<512x128xf32, #tpu.memory_space<vmem>>, vector<1x16xf32>,
      %get3A_92 = arith.index_cast %scan3A_55 : i32 to index
      %get3A_93 = arith.constant 48 : index
      %get3A_94 = tpu.vector_load %arg5[%get3A_92, %get3A_93] {strides = array<i32>} : memref<512x128xf32, #tpu.memory_space<vmem>>, vector<1x16xf32>,
      %get3A_95 = vector.shape_cast %get3A_94 : vector<1x16xf32> to vector<16xf32>
      %add3A_96 = arith.addf %scan3A_59, %get3A_95 : vector<16xf32>
      %swap3A_97 = arith.index_cast %scan3A_55 : i32 to index
      %swap3A_98 = arith.constant 48 : index
      %swap3A_99 = tpu.vector_load %arg5[%swap3A_97, %swap3A_98] {strides = array<i32>} : memref<512x128xf32, #tpu.memory_space<vmem>>, vector<1x16xf32>,
      %swap3A_100 = vector.shape_cast %swap3A_99 : vector<1x16xf32> to vector<16xf32>
      %swap3A_101 = vector.shape_cast %add3A_96 : vector<16xf32> to vector<1x16xf32>
      tpu.vector_store %arg5[%swap3A_97, %swap3A_98], %swap3A_101 {strides = array<i32>} : memref<512x128xf32, #tpu.memory_space<vmem>>, vector<1x16xf32>,
      %get3A_102 = arith.index_cast %scan3A_55 : i32 to index
      %get3A_103 = arith.constant 64 : index
      %get3A_104 = tpu.vector_load %arg5[%get3A_102, %get3A_103] {strides = array<i32>} : memref<512x128xf32, #tpu.memory_space<vmem>>, vector<1x16xf32>,
      %get3A_105 = vector.shape_cast %get3A_104 : vector<1x16xf32> to vector<16xf32>
      %add3A_106 = arith.addf %scan3A_60, %get3A_105 : vector<16xf32>
      %swap3A_107 = arith.index_cast %scan3A_55 : i32 to index
      %swap3A_108 = arith.constant 64 : index
      %swap3A_109 = tpu.vector_load %arg5[%swap3A_107, %swap3A_108] {strides = array<i32>} : memref<512x128xf32, #tpu.memory_space<vmem>>, vector<1x16xf32>,
      %swap3A_110 = vector.shape_cast %swap3A_109 : vector<1x16xf32> to vector<16xf32>
      %swap3A_111 = vector.shape_cast %add3A_106 : vector<16xf32> to vector<1x16xf32>
      tpu.vector_store %arg5[%swap3A_107, %swap3A_108], %swap3A_111 {strides = array<i32>} : memref<512x128xf32, #tpu.memory_space<vmem>>, vector<1x16xf32>,
      %get3A_112 = arith.index_cast %scan3A_55 : i32 to index
      %get3A_113 = arith.constant 80 : index
      %get3A_114 = tpu.vector_load %arg5[%get3A_112, %get3A_113] {strides = array<i32>} : memref<512x128xf32, #tpu.memory_space<vmem>>, vector<1x16xf32>,
      %get3A_115 = vector.shape_cast %get3A_114 : vector<1x16xf32> to vector<16xf32>
      %add3A_116 = arith.addf %scan3A_61, %get3A_115 : vector<16xf32>
      %swap3A_117 = arith.index_cast %scan3A_55 : i32 to index
      %swap3A_118 = arith.constant 80 : index
      %swap3A_119 = tpu.vector_load %arg5[%swap3A_117, %swap3A_118] {strides = array<i32>} : memref<512x128xf32, #tpu.memory_space<vmem>>, vector<1x16xf32>,
      %swap3A_120 = vector.shape_cast %swap3A_119 : vector<1x16xf32> to vector<16xf32>
      %swap3A_121 = vector.shape_cast %add3A_116 : vector<16xf32> to vector<1x16xf32>
      tpu.vector_store %arg5[%swap3A_117, %swap3A_118], %swap3A_121 {strides = array<i32>} : memref<512x128xf32, #tpu.memory_space<vmem>>, vector<1x16xf32>,
      %get3A_122 = arith.index_cast %scan3A_55 : i32 to index
      %get3A_123 = arith.constant 96 : index
      %get3A_124 = tpu.vector_load %arg5[%get3A_122, %get3A_123] {strides = array<i32>} : memref<512x128xf32, #tpu.memory_space<vmem>>, vector<1x16xf32>,
      %get3A_125 = vector.shape_cast %get3A_124 : vector<1x16xf32> to vector<16xf32>
      %add3A_126 = arith.addf %scan3A_62, %get3A_125 : vector<16xf32>
      %swap3A_127 = arith.index_cast %scan3A_55 : i32 to index
      %swap3A_128 = arith.constant 96 : index
      %swap3A_129 = tpu.vector_load %arg5[%swap3A_127, %swap3A_128] {strides = array<i32>} : memref<512x128xf32, #tpu.memory_space<vmem>>, vector<1x16xf32>,
      %swap3A_130 = vector.shape_cast %swap3A_129 : vector<1x16xf32> to vector<16xf32>
      %swap3A_131 = vector.shape_cast %add3A_126 : vector<16xf32> to vector<1x16xf32>
      tpu.vector_store %arg5[%swap3A_127, %swap3A_128], %swap3A_131 {strides = array<i32>} : memref<512x128xf32, #tpu.memory_space<vmem>>, vector<1x16xf32>,
      %get3A_132 = arith.index_cast %scan3A_55 : i32 to index
      %get3A_133 = arith.constant 112 : index
      %get3A_134 = tpu.vector_load %arg5[%get3A_132, %get3A_133] {strides = array<i32>} : memref<512x128xf32, #tpu.memory_space<vmem>>, vector<1x16xf32>,
      %get3A_135 = vector.shape_cast %get3A_134 : vector<1x16xf32> to vector<16xf32>
      %add3A_136 = arith.addf %scan3A_63, %get3A_135 : vector<16xf32>
      %swap3A_137 = arith.index_cast %scan3A_55 : i32 to index
      %swap3A_138 = arith.constant 112 : index
      %swap3A_139 = tpu.vector_load %arg5[%swap3A_137, %swap3A_138] {strides = array<i32>} : memref<512x128xf32, #tpu.memory_space<vmem>>, vector<1x16xf32>,
      %swap3A_140 = vector.shape_cast %swap3A_139 : vector<1x16xf32> to vector<16xf32>
      %swap3A_141 = vector.shape_cast %add3A_136 : vector<16xf32> to vector<1x16xf32>
      tpu.vector_store %arg5[%swap3A_137, %swap3A_138], %swap3A_141 {strides = array<i32>} : memref<512x128xf32, #tpu.memory_space<vmem>>, vector<1x16xf32>,
      scf.yield %add3A_67, %add3A_76, %add3A_86, %add3A_96, %add3A_106, %add3A_116, %add3A_126, %add3A_136 : vector<16xf32>, vector<16xf32>, vector<16xf32>, vector<16xf32>, vector<16xf32>, vector<16xf32>, vector<16xf32>, vector<16xf32>
    }
    %scan3A_54 = arith.constant 512 : i32
    "tpu.region"() ({
      %run_scoped3A = tpu.sem_alloc : memref<!tpu.dma_semaphore, #tpu.memory_space<semaphore_mem>>
      %dma_start3A = tpu.memref_slice %arg3[%mul3A_32, %mul3A_34] : memref<4096x512xf32, #tpu.memory_space<hbm>> -> memref<512x128xf32, #tpu.memory_space<hbm>>
      %dma_start3A_55 = tpu.memref_slice %arg3[%mul3A_32, %mul3A_34] : memref<4096x512xf32, #tpu.memory_space<hbm>> -> memref<512x128xf32, #tpu.memory_space<hbm>>
      tpu.enqueue_dma source(%arg5 : memref<512x128xf32, #tpu.memory_space<vmem>>) target(%dma_start3A_55 : memref<512x128xf32, #tpu.memory_space<hbm>>) target_semaphore(%run_scoped3A : memref<!tpu.dma_semaphore, #tpu.memory_space<semaphore_mem>>)
      %dma_wait3A = tpu.memref_slice %arg3[%mul3A_32, %mul3A_34] : memref<4096x512xf32, #tpu.memory_space<hbm>> -> memref<512x128xf32, #tpu.memory_space<hbm>>
      %dma_wait3A_56 = tpu.memref_slice %arg3[%mul3A_32, %mul3A_34] : memref<4096x512xf32, #tpu.memory_space<hbm>> -> memref<512x128xf32, #tpu.memory_space<hbm>>
      tpu.wait_dma2 semaphore(%run_scoped3A : memref<!tpu.dma_semaphore, #tpu.memory_space<semaphore_mem>>) src(%arg5 : memref<512x128xf32, #tpu.memory_space<vmem>>) dst(%dma_wait3A_56 : memref<512x128xf32, #tpu.memory_space<hbm>>)
      tpu.yield
    }) : () -> ()
    "tpu.region"() ({
      %run_scoped3A = tpu.sem_alloc : memref<!tpu.dma_semaphore, #tpu.memory_space<semaphore_mem>>
      %dma_start3A = arith.constant 511 : i32
      %dma_start3A_55 = arith.constant 0 : i32
      %dma_start3A_56 = tpu.memref_slice %arg5[%dma_start3A, %dma_start3A_55] : memref<512x128xf32, #tpu.memory_space<vmem>> -> memref<1x128xf32, #tpu.memory_space<vmem>>
      %dma_start3A_57 = tpu.memref_slice %arg4[%select_n3A_30, %mul3A_34] : memref<8x512xf32, #tpu.memory_space<hbm>> -> memref<1x128xf32, #tpu.memory_space<hbm>>
      %dma_start3A_58 = tpu.memref_slice %arg4[%select_n3A_30, %mul3A_34] : memref<8x512xf32, #tpu.memory_space<hbm>> -> memref<1x128xf32, #tpu.memory_space<hbm>>
      %dma_start3A_59 = arith.constant 511 : i32
      %dma_start3A_60 = arith.constant 0 : i32
      %dma_start3A_61 = tpu.memref_slice %arg5[%dma_start3A_59, %dma_start3A_60] : memref<512x128xf32, #tpu.memory_space<vmem>> -> memref<1x128xf32, #tpu.memory_space<vmem>>
      tpu.enqueue_dma source(%dma_start3A_61 : memref<1x128xf32, #tpu.memory_space<vmem>>) target(%dma_start3A_58 : memref<1x128xf32, #tpu.memory_space<hbm>>) target_semaphore(%run_scoped3A : memref<!tpu.dma_semaphore, #tpu.memory_space<semaphore_mem>>)
      %dma_wait3A = arith.constant 511 : i32
      %dma_wait3A_62 = arith.constant 0 : i32
      %dma_wait3A_63 = tpu.memref_slice %arg5[%dma_wait3A, %dma_wait3A_62] : memref<512x128xf32, #tpu.memory_space<vmem>> -> memref<1x128xf32, #tpu.memory_space<vmem>>
      %dma_wait3A_64 = tpu.memref_slice %arg4[%select_n3A_30, %mul3A_34] : memref<8x512xf32, #tpu.memory_space<hbm>> -> memref<1x128xf32, #tpu.memory_space<hbm>>
      %dma_wait3A_65 = tpu.memref_slice %arg4[%select_n3A_30, %mul3A_34] : memref<8x512xf32, #tpu.memory_space<hbm>> -> memref<1x128xf32, #tpu.memory_space<hbm>>
      %dma_wait3A_66 = arith.constant 511 : i32
      %dma_wait3A_67 = arith.constant 0 : i32
      %dma_wait3A_68 = tpu.memref_slice %arg5[%dma_wait3A_66, %dma_wait3A_67] : memref<512x128xf32, #tpu.memory_space<vmem>> -> memref<1x128xf32, #tpu.memory_space<vmem>>
      tpu.wait_dma2 semaphore(%run_scoped3A : memref<!tpu.dma_semaphore, #tpu.memory_space<semaphore_mem>>) src(%dma_wait3A_68 : memref<1x128xf32, #tpu.memory_space<vmem>>) dst(%dma_wait3A_65 : memref<1x128xf32, #tpu.memory_space<hbm>>)
      tpu.yield
    }) : () -> ()
    return
  }
}

module attributes {stable_mosaic.version = 14 : i64} {
  func.func @_m_body(%arg0: i32, %arg1: memref<512x512xf32, #tpu.memory_space<vmem>>, %arg2: memref<512x512xf32, #tpu.memory_space<vmem>>, %arg3: memref<3x512xf32, #tpu.memory_space<vmem>>, %arg4: memref<4096x512xf32, #tpu.memory_space<vmem>>, %arg5: memref<512x4096xi8, #tpu.memory_space<vmem>>, %arg6: memref<1x1x512xf32, #tpu.memory_space<vmem>>) attributes {dimension_semantics = [#tpu.dimension_semantics<arbitrary>], iteration_bounds = array<i64: 8>, scalar_prefetch = 0 : i64, scratch_operands = 0 : i64, tpu.core_type = #tpu.core_type<tc>, window_params = [{transform_indices = @transform_0, window_bounds = array<i64: 512, 512>}, {pipeline_mode = #tpu.pipeline_mode<synchronous>, transform_indices = @transform_1, window_bounds = array<i64: 512, 512>}, {pipeline_mode = #tpu.pipeline_mode<synchronous>, transform_indices = @transform_2, window_bounds = array<i64: 3, 512>}, {pipeline_mode = #tpu.pipeline_mode<synchronous>, transform_indices = @transform_3, window_bounds = array<i64: 4096, 512>}, {transform_indices = @transform_4, window_bounds = array<i64: 512, 4096>}, {transform_indices = @transform_5, window_bounds = array<i64: 1, 1, 512>}]} {
    %get3A = arith.constant 0 : index
    %get3A_0 = arith.constant 0 : index
    %get3A_1 = vector.load %arg1[%get3A, %get3A_0] : memref<512x512xf32, #tpu.memory_space<vmem>>, vector<512x512xf32>
    %get3A_2 = arith.constant 0 : index
    %get3A_3 = arith.constant 0 : index
    %get3A_4 = vector.load %arg2[%get3A_2, %get3A_3] : memref<512x512xf32, #tpu.memory_space<vmem>>, vector<512x512xf32>
    %dot_general3A = arith.constant dense<0.000000e+00> : vector<512x512xf32>
    %dot_general3A_5 = tpu.matmul %get3A_1, %get3A_4, %dot_general3A {dimension_numbers = #tpu.dot_dimension_numbers<[1], [0], [0], [1], [0, 0, 1, 1], [], []>, transpose_lhs_hint = false} : vector<512x512xf32>, vector<512x512xf32>, vector<512x512xf32> -> vector<512x512xf32>
    %get3A_6 = arith.constant 0 : index
    %get3A_7 = arith.constant 0 : index
    %get3A_8 = vector.load %arg3[%get3A_6, %get3A_7] : memref<3x512xf32, #tpu.memory_space<vmem>>, vector<1x512xf32>
    %add3A = vector.broadcast %get3A_8 : vector<1x512xf32> to vector<512x512xf32>
    %add3A_9 = arith.addf %dot_general3A_5, %add3A : vector<512x512xf32>
    %get3A_10 = arith.constant 0 : index
    %get3A_11 = arith.constant 0 : index
    %get3A_12 = vector.load %arg4[%get3A_10, %get3A_11] : memref<4096x512xf32, #tpu.memory_space<vmem>>, vector<4096x512xf32>
    %dot_general3A_13 = arith.constant dense<0.000000e+00> : vector<512x4096xf32>
    %dot_general3A_14 = tpu.matmul %add3A_9, %get3A_12, %dot_general3A_13 {dimension_numbers = #tpu.dot_dimension_numbers<[1], [1], [0], [0], [0, 0, 1, 0], [], []>, transpose_lhs_hint = false} : vector<512x512xf32>, vector<4096x512xf32>, vector<512x4096xf32> -> vector<512x4096xf32>
    %get3A_15 = arith.constant 0 : index
    %get3A_16 = arith.constant 0 : index
    %get3A_17 = vector.load %arg5[%get3A_15, %get3A_16] : memref<512x4096xi8, #tpu.memory_space<vmem>>, vector<512x4096xi8>
    %convert_element_type3A = arith.sitofp %get3A_17 : vector<512x4096xi8> to vector<512x4096xf32>
    %gt3A = arith.constant 0.000000e+00 : f32
    %gt3A_18 = vector.broadcast %gt3A : f32 to vector<512x4096xf32>
    %gt3A_19 = arith.cmpf ogt, %convert_element_type3A, %gt3A_18 : vector<512x4096xf32>
    %jit3A = arith.constant 0xFF800000 : f32
    %broadcast_in_dim3A = vector.broadcast %jit3A : f32 to vector<512x4096xf32>
    %select_n3A = arith.select %gt3A_19, %dot_general3A_14, %broadcast_in_dim3A : vector<512x4096xi1>, vector<512x4096xf32>
    %reduce_max3A = arith.constant dense<0xFF800000> : vector<512xf32>
    %reduce_max3A_20 = vector.multi_reduction <maximumf>, %select_n3A, %reduce_max3A [1] : vector<512x4096xf32> to vector<512xf32>
    %mul3A = arith.mulf %convert_element_type3A, %dot_general3A_14 : vector<512x4096xf32>
    %reduce_sum3A = arith.constant dense<0.000000e+00> : vector<512xf32>
    %reduce_sum3A_21 = vector.multi_reduction <add>, %mul3A, %reduce_sum3A [1] : vector<512x4096xf32> to vector<512xf32>
    %mul3A_22 = arith.constant 2.44140625E-4 : f32
    %mul3A_23 = vector.broadcast %mul3A_22 : f32 to vector<512xf32>
    %mul3A_24 = arith.mulf %reduce_sum3A_21, %mul3A_23 : vector<512xf32>
    %sub3A = arith.subf %reduce_max3A_20, %mul3A_24 : vector<512xf32>
    %broadcast_in_dim3A_25 = vector.shape_cast %sub3A : vector<512xf32> to vector<1x1x512xf32>
    %swap3A = arith.constant 0 : index
    %swap3A_26 = arith.constant 0 : index
    %swap3A_27 = arith.constant 0 : index
    %swap3A_28 = vector.load %arg6[%swap3A, %swap3A_26, %swap3A_27] : memref<1x1x512xf32, #tpu.memory_space<vmem>>, vector<1x1x512xf32>
    tpu.vector_store %arg6[%swap3A, %swap3A_26, %swap3A_27], %broadcast_in_dim3A_25 {strides = array<i32>} : memref<1x1x512xf32, #tpu.memory_space<vmem>>, vector<1x1x512xf32>,
    return
  }
  func.func @transform_0(%arg0: i32) -> (i32, i32) {
    %c0_i32 = arith.constant 0 : i32
    %c0_i32_0 = arith.constant 0 : i32
    return %arg0, %c0_i32 : i32, i32
  }
  func.func @transform_1(%arg0: i32) -> (i32, i32) {
    %c0_i32 = arith.constant 0 : i32
    %c0_i32_0 = arith.constant 0 : i32
    %c0_i32_1 = arith.constant 0 : i32
    return %c0_i32, %c0_i32_0 : i32, i32
  }
  func.func @transform_2(%arg0: i32) -> (i32, i32) {
    %c0_i32 = arith.constant 0 : i32
    %c0_i32_0 = arith.constant 0 : i32
    %c0_i32_1 = arith.constant 0 : i32
    return %c0_i32, %c0_i32_0 : i32, i32
  }
  func.func @transform_3(%arg0: i32) -> (i32, i32) {
    %c0_i32 = arith.constant 0 : i32
    %c0_i32_0 = arith.constant 0 : i32
    %c0_i32_1 = arith.constant 0 : i32
    return %c0_i32, %c0_i32_0 : i32, i32
  }
  func.func @transform_4(%arg0: i32) -> (i32, i32) {
    %c0_i32 = arith.constant 0 : i32
    %c0_i32_0 = arith.constant 0 : i32
    return %arg0, %c0_i32 : i32, i32
  }
  func.func @transform_5(%arg0: i32) -> (i32, i32, i32) {
    %c0_i32 = arith.constant 0 : i32
    %c0_i32_0 = arith.constant 0 : i32
    %c0_i32_1 = arith.constant 0 : i32
    return %arg0, %c0_i32, %c0_i32_0 : i32, i32, i32
  }
}

module attributes {stable_mosaic.version = 14 : i64} {
  func.func @_kv_body(%arg0: i32, %arg1: memref<512x512xf32, #tpu.memory_space<vmem>>, %arg2: memref<512x512xf32, #tpu.memory_space<vmem>>, %arg3: memref<512x512xf32, #tpu.memory_space<vmem>>, %arg4: memref<3x512xf32, #tpu.memory_space<vmem>>, %arg5: memref<512x512xf32, #tpu.memory_space<vmem>>, %arg6: memref<512x512xf32, #tpu.memory_space<vmem>>) attributes {dimension_semantics = [#tpu.dimension_semantics<arbitrary>], iteration_bounds = array<i64: 8>, scalar_prefetch = 0 : i64, scratch_operands = 0 : i64, tpu.core_type = #tpu.core_type<tc>, window_params = [{transform_indices = @transform_0, window_bounds = array<i64: 512, 512>}, {pipeline_mode = #tpu.pipeline_mode<synchronous>, transform_indices = @transform_1, window_bounds = array<i64: 512, 512>}, {pipeline_mode = #tpu.pipeline_mode<synchronous>, transform_indices = @transform_2, window_bounds = array<i64: 512, 512>}, {pipeline_mode = #tpu.pipeline_mode<synchronous>, transform_indices = @transform_3, window_bounds = array<i64: 3, 512>}, {transform_indices = @transform_4, window_bounds = array<i64: 512, 512>}, {transform_indices = @transform_5, window_bounds = array<i64: 512, 512>}]} {
    %get3A = arith.constant 0 : index
    %get3A_0 = arith.constant 0 : index
    %get3A_1 = vector.load %arg1[%get3A, %get3A_0] : memref<512x512xf32, #tpu.memory_space<vmem>>, vector<512x512xf32>
    %get3A_2 = arith.constant 0 : index
    %get3A_3 = arith.constant 0 : index
    %get3A_4 = vector.load %arg2[%get3A_2, %get3A_3] : memref<512x512xf32, #tpu.memory_space<vmem>>, vector<512x512xf32>
    %dot_general3A = arith.constant dense<0.000000e+00> : vector<512x512xf32>
    %dot_general3A_5 = tpu.matmul %get3A_1, %get3A_4, %dot_general3A {dimension_numbers = #tpu.dot_dimension_numbers<[1], [0], [0], [1], [0, 0, 1, 1], [], []>, transpose_lhs_hint = false} : vector<512x512xf32>, vector<512x512xf32>, vector<512x512xf32> -> vector<512x512xf32>
    %get3A_6 = arith.constant 1 : index
    %get3A_7 = arith.constant 0 : index
    %get3A_8 = vector.load %arg4[%get3A_6, %get3A_7] : memref<3x512xf32, #tpu.memory_space<vmem>>, vector<1x512xf32>
    %add3A = vector.broadcast %get3A_8 : vector<1x512xf32> to vector<512x512xf32>
    %add3A_9 = arith.addf %dot_general3A_5, %add3A : vector<512x512xf32>
    %swap3A = arith.constant 0 : index
    %swap3A_10 = arith.constant 0 : index
    %swap3A_11 = vector.load %arg5[%swap3A, %swap3A_10] : memref<512x512xf32, #tpu.memory_space<vmem>>, vector<512x512xf32>
    tpu.vector_store %arg5[%swap3A, %swap3A_10], %add3A_9 {strides = array<i32>} : memref<512x512xf32, #tpu.memory_space<vmem>>, vector<512x512xf32>,
    %get3A_12 = arith.constant 0 : index
    %get3A_13 = arith.constant 0 : index
    %get3A_14 = vector.load %arg3[%get3A_12, %get3A_13] : memref<512x512xf32, #tpu.memory_space<vmem>>, vector<512x512xf32>
    %dot_general3A_15 = arith.constant dense<0.000000e+00> : vector<512x512xf32>
    %dot_general3A_16 = tpu.matmul %get3A_1, %get3A_14, %dot_general3A_15 {dimension_numbers = #tpu.dot_dimension_numbers<[1], [0], [0], [1], [0, 0, 1, 1], [], []>, transpose_lhs_hint = false} : vector<512x512xf32>, vector<512x512xf32>, vector<512x512xf32> -> vector<512x512xf32>
    %get3A_17 = arith.constant 2 : index
    %get3A_18 = arith.constant 0 : index
    %get3A_19 = vector.load %arg4[%get3A_17, %get3A_18] : memref<3x512xf32, #tpu.memory_space<vmem>>, vector<1x512xf32>
    %add3A_20 = vector.broadcast %get3A_19 : vector<1x512xf32> to vector<512x512xf32>
    %add3A_21 = arith.addf %dot_general3A_16, %add3A_20 : vector<512x512xf32>
    %swap3A_22 = arith.constant 0 : index
    %swap3A_23 = arith.constant 0 : index
    %swap3A_24 = vector.load %arg6[%swap3A_22, %swap3A_23] : memref<512x512xf32, #tpu.memory_space<vmem>>, vector<512x512xf32>
    tpu.vector_store %arg6[%swap3A_22, %swap3A_23], %add3A_21 {strides = array<i32>} : memref<512x512xf32, #tpu.memory_space<vmem>>, vector<512x512xf32>,
    return
  }
  func.func @transform_0(%arg0: i32) -> (i32, i32) {
    %c0_i32 = arith.constant 0 : i32
    %c0_i32_0 = arith.constant 0 : i32
    return %arg0, %c0_i32 : i32, i32
  }
  func.func @transform_1(%arg0: i32) -> (i32, i32) {
    %c0_i32 = arith.constant 0 : i32
    %c0_i32_0 = arith.constant 0 : i32
    %c0_i32_1 = arith.constant 0 : i32
    return %c0_i32, %c0_i32_0 : i32, i32
  }
  func.func @transform_2(%arg0: i32) -> (i32, i32) {
    %c0_i32 = arith.constant 0 : i32
    %c0_i32_0 = arith.constant 0 : i32
    %c0_i32_1 = arith.constant 0 : i32
    return %c0_i32, %c0_i32_0 : i32, i32
  }
  func.func @transform_3(%arg0: i32) -> (i32, i32) {
    %c0_i32 = arith.constant 0 : i32
    %c0_i32_0 = arith.constant 0 : i32
    %c0_i32_1 = arith.constant 0 : i32
    return %c0_i32, %c0_i32_0 : i32, i32
  }
  func.func @transform_4(%arg0: i32) -> (i32, i32) {
    %c0_i32 = arith.constant 0 : i32
    %c0_i32_0 = arith.constant 0 : i32
    return %arg0, %c0_i32 : i32, i32
  }
  func.func @transform_5(%arg0: i32) -> (i32, i32) {
    %c0_i32 = arith.constant 0 : i32
    %c0_i32_0 = arith.constant 0 : i32
    return %arg0, %c0_i32 : i32, i32
  }
}

module attributes {stable_mosaic.version = 14 : i64} {
  func.func @_topk_body(%arg0: memref<1x4096xf32, #tpu.memory_space<vmem>>, %arg1: memref<1x64xi32, #tpu.memory_space<vmem>>, %arg2: memref<64x1xi32, #tpu.memory_space<vmem>>) attributes {dimension_semantics = [], scalar_prefetch = 0 : i64, scratch_operands = 0 : i64, tpu.core_type = #tpu.core_type<tc>} {
    %get3A = arith.constant 0 : index
    %get3A_0 = arith.constant 0 : index
    %get3A_1 = vector.load %arg0[%get3A, %get3A_0] : memref<1x4096xf32, #tpu.memory_space<vmem>>, vector<1x4096xf32>
    %iota3A = tpu.iota {dimensions = array<i32: 1>} : vector<1x4096xi32>
    %iota3A_2 = tpu.iota {dimensions = array<i32: 1>} : vector<1x64xi32>
    %iota3A_3 = tpu.iota {dimensions = array<i32: 0>} : vector<64x1xi32>
    %broadcast_in_dim3A = arith.constant 0 : i32
    %broadcast_in_dim3A_4 = vector.broadcast %broadcast_in_dim3A : i32 to vector<1x64xi32>
    %broadcast_in_dim3A_5 = arith.constant 0 : i32
    %broadcast_in_dim3A_6 = vector.broadcast %broadcast_in_dim3A_5 : i32 to vector<64x1xi32>
    %scan3A = arith.constant 0 : i32
    %scan3A_7 = arith.constant 45 : i32
    %scan3A_8 = arith.addi %scan3A, %scan3A_7 : i32
    %scan3A_9 = arith.constant 1 : i32
    %scan3A_10:3 = scf.for %scan3A_17 = %scan3A to %scan3A_8 step %scan3A_9 iter_args(%scan3A_18 = %get3A_1, %scan3A_19 = %broadcast_in_dim3A_4, %scan3A_20 = %broadcast_in_dim3A_6) -> (vector<1x4096xf32>, vector<1x64xi32>, vector<64x1xi32>)  : i32 {
      %reduce_max3A = vector.shape_cast %scan3A_18 : vector<1x4096xf32> to vector<1x1x4096xf32>
      %reduce_max3A_21 = arith.constant dense<0xFF800000> : vector<1xf32>
      %reduce_max3A_22 = vector.multi_reduction <maximumf>, %reduce_max3A, %reduce_max3A_21 [1, 2] : vector<1x1x4096xf32> to vector<1xf32>
      %reduce_max3A_23 = vector.shape_cast %reduce_max3A_22 : vector<1xf32> to vector<1x1x1xf32>
      %reduce_max3A_24 = vector.extract %reduce_max3A_23[0, 0, 0] : f32 from vector<1x1x1xf32>
      %eq3A = vector.broadcast %reduce_max3A_24 : f32 to vector<1x4096xf32>
      %eq3A_25 = arith.cmpf oeq, %scan3A_18, %eq3A : vector<1x4096xf32>
      %jit3A = arith.constant 4096 : i32
      %broadcast_in_dim3A_26 = vector.broadcast %jit3A : i32 to vector<1x4096xi32>
      %select_n3A = arith.select %eq3A_25, %iota3A, %broadcast_in_dim3A_26 : vector<1x4096xi1>, vector<1x4096xi32>
      %reduce_min3A = vector.shape_cast %select_n3A : vector<1x4096xi32> to vector<1x1x4096xi32>
      %reduce_min3A_27 = arith.constant dense<2147483647> : vector<1xi32>
      %reduce_min3A_28 = vector.multi_reduction <minsi>, %reduce_min3A, %reduce_min3A_27 [1, 2] : vector<1x1x4096xi32> to vector<1xi32>
      %reduce_min3A_29 = vector.shape_cast %reduce_min3A_28 : vector<1xi32> to vector<1x1x1xi32>
      %reduce_min3A_30 = vector.extract %reduce_min3A_29[0, 0, 0] : i32 from vector<1x1x1xi32>
      %eq3A_31 = vector.broadcast %reduce_min3A_30 : i32 to vector<1x4096xi32>
      %eq3A_32 = arith.cmpi eq, %iota3A, %eq3A_31 : vector<1x4096xi32>
      %jit3A_33 = arith.constant 0xFF800000 : f32
      %broadcast_in_dim3A_34 = vector.broadcast %jit3A_33 : f32 to vector<1x4096xf32>
      %select_n3A_35 = arith.select %eq3A_32, %broadcast_in_dim3A_34, %scan3A_18 : vector<1x4096xi1>, vector<1x4096xf32>
      %eq3A_36 = vector.broadcast %scan3A_17 : i32 to vector<1x64xi32>
      %eq3A_37 = arith.cmpi eq, %iota3A_2, %eq3A_36 : vector<1x64xi32>
      %broadcast_in_dim3A_38 = vector.broadcast %reduce_min3A_30 : i32 to vector<1x64xi32>
      %select_n3A_39 = arith.select %eq3A_37, %broadcast_in_dim3A_38, %scan3A_19 : vector<1x64xi1>, vector<1x64xi32>
      %eq3A_40 = vector.broadcast %scan3A_17 : i32 to vector<64x1xi32>
      %eq3A_41 = arith.cmpi eq, %iota3A_3, %eq3A_40 : vector<64x1xi32>
      %broadcast_in_dim3A_42 = vector.broadcast %reduce_min3A_30 : i32 to vector<64x1xi32>
      %select_n3A_43 = arith.select %eq3A_41, %broadcast_in_dim3A_42, %scan3A_20 : vector<64x1xi1>, vector<64x1xi32>
      scf.yield %select_n3A_35, %select_n3A_39, %select_n3A_43 : vector<1x4096xf32>, vector<1x64xi32>, vector<64x1xi32>
    }
    %scan3A_11 = arith.constant 45 : i32
    %swap3A = arith.constant 0 : index
    %swap3A_12 = arith.constant 0 : index
    %swap3A_13 = vector.load %arg1[%swap3A, %swap3A_12] : memref<1x64xi32, #tpu.memory_space<vmem>>, vector<1x64xi32>
    tpu.vector_store %arg1[%swap3A, %swap3A_12], %scan3A_10#1 {strides = array<i32>} : memref<1x64xi32, #tpu.memory_space<vmem>>, vector<1x64xi32>,
    %swap3A_14 = arith.constant 0 : index
    %swap3A_15 = arith.constant 0 : index
    %swap3A_16 = vector.load %arg2[%swap3A_14, %swap3A_15] : memref<64x1xi32, #tpu.memory_space<vmem>>, vector<64x1xi32>
    tpu.vector_store %arg2[%swap3A_14, %swap3A_15], %scan3A_10#2 {strides = array<i32>} : memref<64x1xi32, #tpu.memory_space<vmem>>, vector<64x1xi32>,
    return
  }
}

module attributes {stable_mosaic.version = 14 : i64} {
  func.func @_attn_body(%arg0: memref<4096x512xf32, #tpu.memory_space<vmem>>, %arg1: memref<512x512xf32, #tpu.memory_space<vmem>>, %arg2: memref<3x512xf32, #tpu.memory_space<vmem>>, %arg3: memref<4096x512xf32, #tpu.memory_space<vmem>>, %arg4: memref<4096x512xf32, #tpu.memory_space<vmem>>, %arg5: memref<64x1xi32, #tpu.memory_space<vmem>>, %arg6: memref<64x512xf32, #tpu.memory_space<vmem>>) attributes {dimension_semantics = [], scalar_prefetch = 0 : i64, scratch_operands = 0 : i64, tpu.core_type = #tpu.core_type<tc>} {
    %get3A = arith.constant 0 : index
    %get3A_0 = arith.constant 0 : index
    %get3A_1 = vector.load %arg5[%get3A, %get3A_0] : memref<64x1xi32, #tpu.memory_space<vmem>>, vector<64x1xi32>
    %iota3A = tpu.iota {dimensions = array<i32: 1>} : vector<64x4096xi32>
    %eq3A = vector.broadcast %get3A_1 : vector<64x1xi32> to vector<64x4096xi32>
    %eq3A_2 = arith.cmpi eq, %iota3A, %eq3A : vector<64x4096xi32>
    %convert_element_type3A = arith.extui %eq3A_2 : vector<64x4096xi1> to vector<64x4096xi32>
    %convert_element_type3A_3 = arith.sitofp %convert_element_type3A : vector<64x4096xi32> to vector<64x4096xf32>
    %get3A_4 = arith.constant 0 : index
    %get3A_5 = arith.constant 0 : index
    %get3A_6 = vector.load %arg0[%get3A_4, %get3A_5] : memref<4096x512xf32, #tpu.memory_space<vmem>>, vector<4096x512xf32>
    %dot_general3A = arith.constant dense<0.000000e+00> : vector<64x512xf32>
    %dot_general3A_7 = tpu.matmul %convert_element_type3A_3, %get3A_6, %dot_general3A {dimension_numbers = #tpu.dot_dimension_numbers<[1], [0], [0], [1], [0, 0, 1, 1], [], []>, precision = #tpu.contract_precision<fp32>, transpose_lhs_hint = false} : vector<64x4096xf32>, vector<4096x512xf32>, vector<64x512xf32> -> vector<64x512xf32>
    %get3A_8 = arith.constant 0 : index
    %get3A_9 = arith.constant 0 : index
    %get3A_10 = vector.load %arg1[%get3A_8, %get3A_9] : memref<512x512xf32, #tpu.memory_space<vmem>>, vector<512x512xf32>
    %dot_general3A_11 = arith.constant dense<0.000000e+00> : vector<64x512xf32>
    %dot_general3A_12 = tpu.matmul %dot_general3A_7, %get3A_10, %dot_general3A_11 {dimension_numbers = #tpu.dot_dimension_numbers<[1], [0], [0], [1], [0, 0, 1, 1], [], []>, transpose_lhs_hint = false} : vector<64x512xf32>, vector<512x512xf32>, vector<64x512xf32> -> vector<64x512xf32>
    %get3A_13 = arith.constant 0 : index
    %get3A_14 = arith.constant 0 : index
    %get3A_15 = vector.load %arg2[%get3A_13, %get3A_14] : memref<3x512xf32, #tpu.memory_space<vmem>>, vector<1x512xf32>
    %add3A = vector.broadcast %get3A_15 : vector<1x512xf32> to vector<64x512xf32>
    %add3A_16 = arith.addf %dot_general3A_12, %add3A : vector<64x512xf32>
    %get3A_17 = arith.constant 0 : index
    %get3A_18 = arith.constant 0 : index
    %get3A_19 = vector.load %arg3[%get3A_17, %get3A_18] : memref<4096x512xf32, #tpu.memory_space<vmem>>, vector<4096x512xf32>
    %dot_general3A_20 = arith.constant dense<0.000000e+00> : vector<64x4096xf32>
    %dot_general3A_21 = tpu.matmul %add3A_16, %get3A_19, %dot_general3A_20 {dimension_numbers = #tpu.dot_dimension_numbers<[1], [1], [0], [0], [0, 0, 1, 0], [], []>, transpose_lhs_hint = false} : vector<64x512xf32>, vector<4096x512xf32>, vector<64x4096xf32> -> vector<64x4096xf32>
    %mul3A = arith.constant 0.0441941731 : f32
    %mul3A_22 = vector.broadcast %mul3A : f32 to vector<64x4096xf32>
    %mul3A_23 = arith.mulf %dot_general3A_21, %mul3A_22 : vector<64x4096xf32>
    %iota3A_24 = tpu.iota {dimensions = array<i32: 1>} : vector<64x4096xi32>
    %gt3A = vector.broadcast %get3A_1 : vector<64x1xi32> to vector<64x4096xi32>
    %gt3A_25 = arith.cmpi sgt, %iota3A_24, %gt3A : vector<64x4096xi32>
    %jit3A = arith.constant 0xFF800000 : f32
    %broadcast_in_dim3A = vector.broadcast %jit3A : f32 to vector<64x4096xf32>
    %select_n3A = arith.select %gt3A_25, %broadcast_in_dim3A, %mul3A_23 : vector<64x4096xi1>, vector<64x4096xf32>
    %reduce_max3A = arith.constant dense<0xFF800000> : vector<64xf32>
    %reduce_max3A_26 = vector.multi_reduction <maximumf>, %select_n3A, %reduce_max3A [1] : vector<64x4096xf32> to vector<64xf32>
    %broadcast_in_dim3A_27 = vector.shape_cast %reduce_max3A_26 : vector<64xf32> to vector<64x1xf32>
    %sub3A = vector.broadcast %broadcast_in_dim3A_27 : vector<64x1xf32> to vector<64x4096xf32>
    %sub3A_28 = arith.subf %select_n3A, %sub3A : vector<64x4096xf32>
    %exp3A = math.exp %sub3A_28 : vector<64x4096xf32>
    %reduce_sum3A = arith.constant dense<0.000000e+00> : vector<64xf32>
    %reduce_sum3A_29 = vector.multi_reduction <add>, %exp3A, %reduce_sum3A [1] : vector<64x4096xf32> to vector<64xf32>
    %broadcast_in_dim3A_30 = vector.shape_cast %reduce_sum3A_29 : vector<64xf32> to vector<64x1xf32>
    %div3A = vector.broadcast %broadcast_in_dim3A_30 : vector<64x1xf32> to vector<64x4096xf32>
    %div3A_31 = arith.divf %exp3A, %div3A : vector<64x4096xf32>
    %get3A_32 = arith.constant 0 : index
    %get3A_33 = arith.constant 0 : index
    %get3A_34 = vector.load %arg4[%get3A_32, %get3A_33] : memref<4096x512xf32, #tpu.memory_space<vmem>>, vector<4096x512xf32>
    %dot_general3A_35 = arith.constant dense<0.000000e+00> : vector<64x512xf32>
    %dot_general3A_36 = tpu.matmul %div3A_31, %get3A_34, %dot_general3A_35 {dimension_numbers = #tpu.dot_dimension_numbers<[1], [0], [0], [1], [0, 0, 1, 1], [], []>, transpose_lhs_hint = false} : vector<64x4096xf32>, vector<4096x512xf32>, vector<64x512xf32> -> vector<64x512xf32>
    %swap3A = arith.constant 0 : index
    %swap3A_37 = arith.constant 0 : index
    %swap3A_38 = vector.load %arg6[%swap3A, %swap3A_37] : memref<64x512xf32, #tpu.memory_space<vmem>>, vector<64x512xf32>
    tpu.vector_store %arg6[%swap3A, %swap3A_37], %dot_general3A_36 {strides = array<i32>} : memref<64x512xf32, #tpu.memory_space<vmem>>, vector<64x512xf32>,
    return
  }
}

module attributes {stable_mosaic.version = 14 : i64} {
  func.func @_ctx_body(%arg0: i32, %arg1: memref<512x512xf32, #tpu.memory_space<vmem>>, %arg2: memref<8x512xf32, #tpu.memory_space<vmem>>, %arg3: memref<1x64xi32, #tpu.memory_space<vmem>>, %arg4: memref<64x512xf32, #tpu.memory_space<vmem>>, %arg5: memref<512x512xf32, #tpu.memory_space<vmem>>, %arg6: memref<1x512xf32, #tpu.memory_space<vmem>>, %arg7: memref<512x512xf32, #tpu.memory_space<vmem>>) attributes {dimension_semantics = [#tpu.dimension_semantics<arbitrary>], iteration_bounds = array<i64: 8>, scalar_prefetch = 0 : i64, scratch_operands = 0 : i64, tpu.core_type = #tpu.core_type<tc>, window_params = [{transform_indices = @transform_0, window_bounds = array<i64: 512, 512>}, {pipeline_mode = #tpu.pipeline_mode<synchronous>, transform_indices = @transform_1, window_bounds = array<i64: 8, 512>}, {pipeline_mode = #tpu.pipeline_mode<synchronous>, transform_indices = @transform_2, window_bounds = array<i64: 1, 64>}, {pipeline_mode = #tpu.pipeline_mode<synchronous>, transform_indices = @transform_3, window_bounds = array<i64: 64, 512>}, {pipeline_mode = #tpu.pipeline_mode<synchronous>, transform_indices = @transform_4, window_bounds = array<i64: 512, 512>}, {pipeline_mode = #tpu.pipeline_mode<synchronous>, transform_indices = @transform_5, window_bounds = array<i64: 1, 512>}, {transform_indices = @transform_6, window_bounds = array<i64: 512, 512>}]} {
    %iota3A = tpu.iota {dimensions = array<i32: 0>} : vector<8x1xi32>
    %lt3A = vector.broadcast %arg0 : i32 to vector<8x1xi32>
    %lt3A_0 = arith.cmpi slt, %iota3A, %lt3A : vector<8x1xi32>
    %get3A = arith.constant 0 : index
    %get3A_1 = arith.constant 0 : index
    %get3A_2 = vector.load %arg2[%get3A, %get3A_1] : memref<8x512xf32, #tpu.memory_space<vmem>>, vector<8x512xf32>
    %jit3A = arith.constant 0.000000e+00 : f32
    %broadcast_in_dim3A = vector.shape_cast %lt3A_0 : vector<8x1xi1> to vector<8x1xi1>
    %broadcast_in_dim3A_3 = vector.broadcast %broadcast_in_dim3A : vector<8x1xi1> to vector<8x512xi1>
    %broadcast_in_dim3A_4 = vector.broadcast %jit3A : f32 to vector<8x512xf32>
    %select_n3A = arith.select %broadcast_in_dim3A_3, %get3A_2, %broadcast_in_dim3A_4 : vector<8x512xi1>, vector<8x512xf32>
    %reduce_sum3A = arith.constant dense<0.000000e+00> : vector<512xf32>
    %reduce_sum3A_5 = vector.multi_reduction <add>, %select_n3A, %reduce_sum3A [0] : vector<8x512xf32> to vector<512xf32>
    %broadcast_in_dim3A_6 = vector.shape_cast %reduce_sum3A_5 : vector<512xf32> to vector<1x512xf32>
    %get3A_7 = arith.constant 0 : index
    %get3A_8 = arith.constant 0 : index
    %get3A_9 = vector.load %arg1[%get3A_7, %get3A_8] : memref<512x512xf32, #tpu.memory_space<vmem>>, vector<512x512xf32>
    %add3A = vector.broadcast %broadcast_in_dim3A_6 : vector<1x512xf32> to vector<512x512xf32>
    %add3A_10 = arith.addf %get3A_9, %add3A : vector<512x512xf32>
    %iota3A_11 = tpu.iota {dimensions = array<i32: 0>} : vector<512x64xi32>
    %mul3A = arith.constant 512 : i32
    %mul3A_12 = arith.muli %arg0, %mul3A : i32
    %add3A_13 = vector.broadcast %mul3A_12 : i32 to vector<512x64xi32>
    %add3A_14 = arith.addi %iota3A_11, %add3A_13 : vector<512x64xi32>
    %iota3A_15 = tpu.iota {dimensions = array<i32: 1>} : vector<512x64xi32>
    %get3A_16 = arith.constant 0 : index
    %get3A_17 = arith.constant 0 : index
    %get3A_18 = vector.load %arg3[%get3A_16, %get3A_17] : memref<1x64xi32, #tpu.memory_space<vmem>>, vector<1x64xi32>
    %eq3A = vector.broadcast %get3A_18 : vector<1x64xi32> to vector<512x64xi32>
    %eq3A_19 = arith.cmpi eq, %add3A_14, %eq3A : vector<512x64xi32>
    %lt3A_20 = arith.constant 45 : i32
    %lt3A_21 = vector.broadcast %lt3A_20 : i32 to vector<512x64xi32>
    %lt3A_22 = arith.cmpi slt, %iota3A_15, %lt3A_21 : vector<512x64xi32>
    %and3A = arith.andi %eq3A_19, %lt3A_22 : vector<512x64xi1>
    %convert_element_type3A = arith.extui %and3A : vector<512x64xi1> to vector<512x64xi32>
    %convert_element_type3A_23 = arith.sitofp %convert_element_type3A : vector<512x64xi32> to vector<512x64xf32>
    %get3A_24 = arith.constant 0 : index
    %get3A_25 = arith.constant 0 : index
    %get3A_26 = vector.load %arg4[%get3A_24, %get3A_25] : memref<64x512xf32, #tpu.memory_space<vmem>>, vector<64x512xf32>
    %dot_general3A = arith.constant dense<0.000000e+00> : vector<512x512xf32>
    %dot_general3A_27 = tpu.matmul %convert_element_type3A_23, %get3A_26, %dot_general3A {dimension_numbers = #tpu.dot_dimension_numbers<[1], [0], [0], [1], [0, 0, 1, 1], [], []>, transpose_lhs_hint = false} : vector<512x64xf32>, vector<64x512xf32>, vector<512x512xf32> -> vector<512x512xf32>
    %reduce_sum3A_28 = arith.constant dense<0.000000e+00> : vector<512xf32>
    %reduce_sum3A_29 = vector.multi_reduction <add>, %convert_element_type3A_23, %reduce_sum3A_28 [1] : vector<512x64xf32> to vector<512xf32>
    %broadcast_in_dim3A_30 = vector.shape_cast %reduce_sum3A_29 : vector<512xf32> to vector<512x1xf32>
    %gt3A = arith.constant 0.000000e+00 : f32
    %gt3A_31 = vector.broadcast %gt3A : f32 to vector<512x1xf32>
    %gt3A_32 = arith.cmpf ogt, %broadcast_in_dim3A_30, %gt3A_31 : vector<512x1xf32>
    %broadcast_in_dim3A_33 = vector.shape_cast %gt3A_32 : vector<512x1xi1> to vector<512x1xi1>
    %broadcast_in_dim3A_34 = vector.broadcast %broadcast_in_dim3A_33 : vector<512x1xi1> to vector<512x512xi1>
    %select_n3A_35 = arith.select %broadcast_in_dim3A_34, %dot_general3A_27, %add3A_10 : vector<512x512xi1>, vector<512x512xf32>
    %get3A_36 = arith.constant 0 : index
    %get3A_37 = arith.constant 0 : index
    %get3A_38 = vector.load %arg5[%get3A_36, %get3A_37] : memref<512x512xf32, #tpu.memory_space<vmem>>, vector<512x512xf32>
    %dot_general3A_39 = arith.constant dense<0.000000e+00> : vector<512x512xf32>
    %dot_general3A_40 = tpu.matmul %select_n3A_35, %get3A_38, %dot_general3A_39 {dimension_numbers = #tpu.dot_dimension_numbers<[1], [0], [0], [1], [0, 0, 1, 1], [], []>, transpose_lhs_hint = false} : vector<512x512xf32>, vector<512x512xf32>, vector<512x512xf32> -> vector<512x512xf32>
    %get3A_41 = arith.constant 0 : index
    %get3A_42 = arith.constant 0 : index
    %get3A_43 = vector.load %arg6[%get3A_41, %get3A_42] : memref<1x512xf32, #tpu.memory_space<vmem>>, vector<1x512xf32>
    %add3A_44 = vector.broadcast %get3A_43 : vector<1x512xf32> to vector<512x512xf32>
    %add3A_45 = arith.addf %dot_general3A_40, %add3A_44 : vector<512x512xf32>
    %swap3A = arith.constant 0 : index
    %swap3A_46 = arith.constant 0 : index
    %swap3A_47 = vector.load %arg7[%swap3A, %swap3A_46] : memref<512x512xf32, #tpu.memory_space<vmem>>, vector<512x512xf32>
    tpu.vector_store %arg7[%swap3A, %swap3A_46], %add3A_45 {strides = array<i32>} : memref<512x512xf32, #tpu.memory_space<vmem>>, vector<512x512xf32>,
    return
  }
  func.func @transform_0(%arg0: i32) -> (i32, i32) {
    %c0_i32 = arith.constant 0 : i32
    %c0_i32_0 = arith.constant 0 : i32
    return %arg0, %c0_i32 : i32, i32
  }
  func.func @transform_1(%arg0: i32) -> (i32, i32) {
    %c0_i32 = arith.constant 0 : i32
    %c0_i32_0 = arith.constant 0 : i32
    %c0_i32_1 = arith.constant 0 : i32
    return %c0_i32, %c0_i32_0 : i32, i32
  }
  func.func @transform_2(%arg0: i32) -> (i32, i32) {
    %c0_i32 = arith.constant 0 : i32
    %c0_i32_0 = arith.constant 0 : i32
    %c0_i32_1 = arith.constant 0 : i32
    return %c0_i32, %c0_i32_0 : i32, i32
  }
  func.func @transform_3(%arg0: i32) -> (i32, i32) {
    %c0_i32 = arith.constant 0 : i32
    %c0_i32_0 = arith.constant 0 : i32
    %c0_i32_1 = arith.constant 0 : i32
    return %c0_i32, %c0_i32_0 : i32, i32
  }
  func.func @transform_4(%arg0: i32) -> (i32, i32) {
    %c0_i32 = arith.constant 0 : i32
    %c0_i32_0 = arith.constant 0 : i32
    %c0_i32_1 = arith.constant 0 : i32
    return %c0_i32, %c0_i32_0 : i32, i32
  }
  func.func @transform_5(%arg0: i32) -> (i32, i32) {
    %c0_i32 = arith.constant 0 : i32
    %c0_i32_0 = arith.constant 0 : i32
    %c0_i32_1 = arith.constant 0 : i32
    return %c0_i32, %c0_i32_0 : i32, i32
  }
  func.func @transform_6(%arg0: i32) -> (i32, i32) {
    %c0_i32 = arith.constant 0 : i32
    %c0_i32_0 = arith.constant 0 : i32
    return %arg0, %c0_i32 : i32, i32
  }
}

</mosaic_0001>

<sc_bundles>
// kernel: kernel.8.cloned.1.call-start
scs
__scs_entry_jumppad:
0x0: {  	(pc) =	sbr.rel $0x88, $3  }
0x1: {  	(tag) =	ssettag $0x0;
	lr =	simm.s32 $0x1  }
0x2: {  	[smem:$0x3F98] =	sst lr;
	_ =	strace $0xD0000000  }
0x3: {  	_ = 	snop  }
0x4: {  	_ = 	snop  }
0x5: {  	_ = 	snop  }
0x6: {  	_ = 	snop  }
0x7: {  	_ = 	snop  }
__scs_overlays_trampoline_lowered:
0x8: {  	[smem:$0x3FA7] =	sst s0  }
0x9: {  	[smem:$0x3FA8] =	sst s1  }
0xa: {  	[smem:$0x3FA9] =	sst s2  }
0xb: {  	[smem:$0x3FAA] =	sst s3  }
0xc: {  	[smem:$0x3FAB] =	sst s4  }
0xd: {  	[smem:$0x3FAC] =	sst s5  }
0xe: {  	[smem:$0x3FAD] =	sst s6  }
0xf: {  	[smem:$0x3FAE] =	sst s7  }
0x10: {  	[smem:$0x3FAF] =	sst s8  }
0x11: {  	[smem:$0x3FB0] =	sst s9;
	s0 =	simm.s32 @!p0 $0x0  }
0x12: {  	s1 =	sld [smem:$0x3F96];
	s0 =	simm.s32 @p0 $0x1  }
0x13: {  	[smem:$0x3FB1] =	sst s0;
	s0 =	simm.s32 @!p1 $0x0  }
0x14: {  	s2 =	sld [smem:$0x3F95];
	s0 =	simm.s32 @p1 $0x1  }
0x15: {  	[smem:$0x3FB2] =	sst s0;
	s0 =	simm.s32 @!p2 $0x0  }
0x16: {  	s3 =	sld [smem:$0x3FDB];
	s0 =	simm.s32 @p2 $0x1  }
0x17: {  	s4 =	simm.s32 $0x1BF5;
	[smem:$0x3FB4] =	sst s0  }
0x18: {  	s0 =	sld [smem:$0x3F97];
	_ =	swait.ge [sflag:s4], $0x0  }
0x19: {  	s7 =	sld [smem:$0x3F98]  }
0x1a: {  	s8 =	sadd.s32 $0xFFFFE003, lr  }
0x1b: {  	s9 =	sadd.s32 $0xFFFFFEF7, lr;
	s5 =	simm.s32 $0xFFFFFFFF;
	p2 =	slt.u32 s8, $0xFFFFF086  }
0x1c: {  	p1 =	slt.u32 s9, $0xF7A;
	s5 =	simm.s32 @!p2 $0x0  }
0x1d: {  	s5 =	simm.s32 @p1 $0x1;
	p0 =	seq.s32 s7, s2  }
0x1e: {  	s7 =	smul.u32 @!p0 $0xF7A, s2;
	p2 =	seq.s32 @!p0 s5, $0x0  }
0x1f: {  	s9 =	smul.u32 $0xF7A, s1;
	s8 =	simm.s32 @!p0 $0x1BF5;
	p2 =	por !p2, p0  }
0x20: {  	[sflag:s8] =	ssyncset.s32 @!p0 $0xFFFFF086;
	s6 =	sadd.s32 @!p0 s3, s7;
	s7 =	simm.s32 @!p0 $0x108  }
0x21: {  	s3 =	sadd.s32 s3, s9;
	s6 =	sadd.s32 @!p0 $0x88, s6;
	s7 =	simm.s32 @p2 $0x1082  }
0x22: {  	[simem:s7], [sflag:s8] =	dma.local @!p0 [hbm:s6], $0xF7A  }
0x23: {  	s9 =	sor.u32 $0xD0000000, s2;
	s6 =	simm.s32 $0x108;
	_ =	swait.ge @!p0 [sflag:s8], $0x0  }
0x24: {  	s3 =	sadd.s32 $0x88, s3;
	s6 =	simm.s32 @!p1 $0x1082;
	[sflag:s4] =	ssyncset.s32 $0xFFFFF086  }
0x25: {  	[simem:s6], [sflag:s4] =	dma.local [hbm:s3], $0xF7A  }
0x26: {  	[smem:$0x3F98] =	sst s1;
	(tag) =	ssettag s2;
	_ =	strace s9  }
0x27: {  	s1 =	sld [smem:$0x3FA8]  }
0x28: {  	s2 =	sld [smem:$0x3FA9]  }
0x29: {  	s4 =	sld [smem:$0x3FAB]  }
0x2a: {  	p0 =	seq.s32 s5, $0x0;
	s5 =	sld [smem:$0x3FAC]  }
0x2b: {  	s6 =	sld [smem:$0x3FAD]  }
0x2c: {  	s7 =	sld [smem:$0x3FAE]  }
0x2d: {  	s3 =	simm.s32 $0x108;
	s8 =	sld [smem:$0x3FAF]  }
0x2e: {  	s3 =	simm.s32 @!p0 $0x1082;
	s9 =	sld [smem:$0x3FB0]  }
0x2f: {  	lr =	sadd.s32 s0, s3;
	s0 =	sld [smem:$0x3FA7]  }
0x30: {  	s3 =	sld [smem:$0x3FAA]  }
0x31: {  	[smem:$0x3FB3] =	sst s10  }
0x32: {  	s10 =	sld [smem:$0x3FB1];
	_ =	sdelay $0x3  }
0x33: {  	p0 =	seq.s32 s10, $0x1;
	s10 =	sld [smem:$0x3FB3];
	_ =	sdelay $0x3  }
0x34: {  	[smem:$0x3FB3] =	sst s10  }
0x35: {  	s10 =	sld [smem:$0x3FB2];
	_ =	sdelay $0x3  }
0x36: {  	p1 =	seq.s32 s10, $0x1;
	s10 =	sld [smem:$0x3FB3];
	_ =	sdelay $0x3  }
0x37: {  	[smem:$0x3FB3] =	sst s10  }
0x38: {  	s10 =	sld [smem:$0x3FB4]  }
0x39: {  	_ = 	snop;
	(pc) =	sbr.ind lr, $3  }
0x3a: {  	_ = 	snop  }
0x3b: {  	_ = 	snop  }
0x3c: {  	p2 =	seq.s32 s10, $0x1;
	s10 =	sld [smem:$0x3FB3]  }
0x3d: {  	_ =	shalt  }
0x3e: {  	_ =	shalt  }
0x3f: {  	_ =	shalt  }
0x40: {  	_ =	shalt  }
0x41: {  	_ =	shalt  }
0x42: {  	_ =	shalt  }
0x43: {  	_ =	shalt  }
0x44: {  	_ =	shalt  }
0x45: {  	_ =	shalt  }
0x46: {  	_ =	shalt  }
0x47: {  	_ =	shalt  }
0x48: {  	_ =	shalt  }
0x49: {  	_ =	shalt  }
0x4a: {  	_ =	shalt  }
0x4b: {  	_ =	shalt  }
0x4c: {  	_ =	shalt  }
0x4d: {  	_ =	shalt  }
0x4e: {  	_ =	shalt  }
0x4f: {  	_ =	shalt  }
0x50: {  	_ =	shalt  }
0x51: {  	_ =	shalt  }
0x52: {  	_ =	shalt  }
0x53: {  	_ =	shalt  }
0x54: {  	_ =	shalt  }
0x55: {  	_ =	shalt  }
0x56: {  	_ =	shalt  }
0x57: {  	_ =	shalt  }
0x58: {  	_ =	shalt  }
0x59: {  	_ =	shalt  }
0x5a: {  	_ =	shalt  }
0x5b: {  	_ =	shalt  }
0x5c: {  	_ =	shalt  }
0x5d: {  	_ =	shalt  }
0x5e: {  	_ =	shalt  }
0x5f: {  	_ =	shalt  }
0x60: {  	_ =	shalt  }
0x61: {  	_ =	shalt  }
0x62: {  	_ =	shalt  }
0x63: {  	_ =	shalt  }
0x64: {  	_ =	shalt  }
0x65: {  	_ =	shalt  }
0x66: {  	_ =	shalt  }
0x67: {  	_ =	shalt  }
0x68: {  	_ =	shalt  }
0x69: {  	_ =	shalt  }
0x6a: {  	_ =	shalt  }
0x6b: {  	_ =	shalt  }
0x6c: {  	_ =	shalt  }
0x6d: {  	_ =	shalt  }
0x6e: {  	_ =	shalt  }
0x6f: {  	_ =	shalt  }
0x70: {  	_ =	shalt  }
0x71: {  	_ =	shalt  }
0x72: {  	_ =	shalt  }
0x73: {  	_ =	shalt  }
0x74: {  	_ =	shalt  }
0x75: {  	_ =	shalt  }
0x76: {  	_ =	shalt  }
0x77: {  	_ =	shalt  }
0x78: {  	_ =	shalt  }
0x79: {  	_ =	shalt  }
0x7a: {  	_ =	shalt  }
0x7b: {  	_ =	shalt  }
0x7c: {  	_ =	shalt  }
0x7d: {  	_ =	shalt  }
0x7e: {  	_ =	shalt  }
0x7f: {  	_ =	shalt  }
0x80: {  	_ =	shalt  }
0x81: {  	_ =	shalt  }
0x82: {  	_ =	shalt  }
0x83: {  	_ =	shalt  }
0x84: {  	_ =	shalt  }
0x85: {  	_ =	shalt  }
0x86: {  	_ =	shalt  }
0x87: {  	_ =	shalt  }
.Lfunc_end0:
.L_simem_size_0:
called_computation_lowered:
.L_overlay_start_0:
0x88: {  	s2 =	sld [smem:$0x3FD9]  }
0x89: {  	s3 =	sld [smem:$0x3FFE];
	_ =	sdelay $0x1  }
0x8a: {  	s1 =	srdreg.scid  }
0x8b: {  	s0 =	sand.u32 $0x1, s1  }
0x8c: {  	s17 =	sshll.u32 s0, $0xA;
	s2 =	sadd.s32 s3, s2  }
0x8d: {  	s2 =	sadd.s32 s2, s17  }
0x8e: {  	[smem:$0x3FBF] =	sst s2  }
0x8f: {  	_ = 	snop  }
0x90: {  	s2 =	sld [smem:$0x3FD0];
	(tm) =	ssettm $0x1  }
0x91: {  	s18 =	sld [smem:$0x3FFB];
	_ =	sdelay $0x3  }
0x92: {  	_ =	strace s18  }
0x93: {  	s3 =	sld [smem:$0x3FFC];
	_ =	sdelay $0x3  }
0x94: {  	_ =	strace s3  }
0x95: {  	s3 =	sld [smem:$0x3FFD];
	_ =	sdelay $0x3  }
0x96: {  	_ =	strace s3  }
0x97: {  	_ =	strace $0x8FFFFFFF  }
0x98: {  	s19 =	sld [smem:$0x3FDB];
	_ =	sdelay $0x1  }
0x99: {  	s4 =	simm.s32 $_scs_section_size  }
0x9a: {  	s5 =	simm.s32 $_size__tile_overlayer_lowered;
	s6 =	simm.s32 $_tile_overlayer_lowered  }
0x9b: {  	s22 =	simm.s32 $0x1BFF;
	s21 =	sshll.u32 s6, $0x1;
	s3 =	sadd.s32 s4, s19  }
0x9c: {  	s7 =	simm.s32 $0x0;
	s20 =	sshll.u32 s5, $0x1;
	s5 =	sadd.s32 s21, s3  }
0x9d: {  	[timem:s7], [sflag:s22] =	dma.local [hbm:s5], s20  }
0x9e: {  	_ =	swait.ge [sflag:s22], s20  }
0x9f: {  	s4 =	ssub.s32 $0x0, s20;
	[sflag:s22] =	ssyncset.done $0x0  }
0xa0: {  	[sflag:s22] =	ssyncadd.s32 s4;
	_ =	sdelay $0x1  }
0xa1: {  	s23 =	simm.s32 $0x1B8B  }
0xa2: {  	_ =	swait.ge [sflag:s23], $0x1  }
0xa3: {  	[sflag:s23] =	ssyncset.done $0x0  }
0xa4: {  	s25 =	simm.s32 $0x1B8E;
	s24 =	sld [smem:$0x3FFE];
	[sflag:s23] =	ssyncadd.s32 $0xFFFFFFFF  }
0xa5: {  	s26 =	simm.s32 $execute0_lowered;
	[smem:$0x3FD2] =	sst s25  }
0xa6: {  	s5 =	sshll.u32 s26, $0x1;
	_ =	strace $0x80000046;
	[dreg:$0x1] =	wrdreg $0xFFFFFFFF  }
0xa7: {  	s28 =	simm.s32 $_size_execute0_lowered;
	s3 =	sadd.s32 s3, s5;
	[dreg:$0x0] =	wrdreg $0x0  }
0xa8: {  	s5 =	sshll.u32 s28, $0x1;
	[dreg:$0x2] =	wrdreg s3  }
0xa9: {  	[dreg:$0x3] =	wrdreg s5  }
0xaa: {  	[dreg:$0x4] =	wrdreg $0xC0  }
0xab: {  	_ =	task [dreg:s7], $0x5FFFF  }
0xac: {  	[dreg:$0x1] =	wrdreg $0xFFFFFFFF  }
0xad: {  	[dreg:$0x0] =	wrdreg $0x60  }
0xae: {  	[dreg:$0x2] =	wrdreg s2  }
0xaf: {  	[dreg:$0x3] =	wrdreg s24  }
0xb0: {  	[dreg:$0x4] =	wrdreg $0x9  }
0xb1: {  	_ =	task.clear_ibuf [dreg:s7], $0x5FFFF;
	_ =	strace $0x90000046  }
0xb2: {  	s29 =	simm.s32 $0x9;
	_ =	strace $0x80000048  }
0xb3: {  	_ =	swait.ge [sflag:s29], $0x1  }
0xb4: {  	[sflag:s29] =	ssyncadd.s32 $0xFFFFFFFF  }
0xb5: {  	_ =	strace $0x90000048  }
0xb6: {  	_ =	sfence  }
0xb7: {  	s30 =	sld [smem:$0x0];
	_ =	sdelay $0x2  }
0xb8: {  	s31 =	sshll.u32 s1, $0xD;
	s1 =	sshrl.u32 s1, $0x2  }
0xb9: {  	s3 =	sand.u32 $0x4000, s31;
	s1 =	sadd.s32 s1, s30  }
0xba: {  	s0 =	sor.u32 s3, s0;
	s1 =	sshll.u32 s1, $0x11  }
0xbb: {  	s0 =	sor.u32 s1, s0  }
0xbc: {  	s0 =	sadd.s32 $0x8F2B, s0  }
0xbd: {  	[sflag:s0] =	ssyncadd.remote.s32 $0x1  }
0xbe: {  	_ =	sfence.sel $0xFFFF  }
0xbf: {  	[dreg:$0x0] =	wrdreg $0xFFFFFFFF;
	(pc) =	sbr.abs _section_cstart, $3  }
0xc0: {  	[dreg:$0x1] =	wrdreg $0xFFFFFFFF  }
0xc1: {  	_ =	task.clear_ibuf [dreg:s7], $0x2FFFF;
	_ =	strace $0x9FFFFFFF  }
0xc2: {  	(tm) =	ssettm $0x7FFFFFFF  }
0xc3: {  	_ =	shalt  }
tec
execute0_lowered:
.L_overlay_start_1:
0x0: {  	(tag) =	ssettag $0x1  }
0x1: {  	s3 =	rddreg [dreg:$0x0]  }
0x2: {  	s4 =	rddreg [dreg:$0x1]  }
0x3: {  	s0 =	rddreg [dreg:$0x2];
	s2 =	simm.s32 $0x0  }
0x4: {  	s5 =	srdreg.scid;
	s1 =	stileid.u32;
	s10 =	simm.s32 $0xFF80  }
0x5: {  	s11 =	simm.s32 $0x0;
	[smem:$0x7FF] =	sst s2;
	s5 =	sand.u32 $0x1, s5  }
0x6: {  	s6 =	sshll.u32 s1, $0x7;
	s7 =	sand.u32 $0x7, s1;
	_ =	strace $0x80000047  }
0x7: {  	s8 =	sshll.u32 s5, $0xB;
	s6 =	sand.u32 $0x400, s6;
	s29 =	sshll.u32 s7, $0x12  }
0x8: {  	s7 =	sshll.u32 s7, $0x7;
	s5 =	ssub.s32 $0x2, s5;
	s6 =	sor.u32 s8, s6  }
0x9: {  	s31 =	sshrl.u32 s5, $0x1;
	s8 =	sor.u32 s29, s6;
	s6 =	sor.u32 s7, s6  }
0xa: {  	s7 =	simm.s32 $0x400;
	s30 =	sshrl.u32 s8, $0x3;
	s6 =	sshrl.u32 s6, $0x3  }
0xb: {  	s8 =	ssub.s32 s5, s31;
	s9 =	sadd.s32 s30, s4;
	s6 =	sadd.s32 s6, s4  }
0xc: {  	s3 =	sadd.s32 s3, s30;
	s4 =	sadd.s32 $0x42C00, s9;
	s5 =	sadd.s32 $0x82C00, s6  }
0xd: {  	s6 =	smax.u32 s8, $0x1;
	s8 =	simm.s32 $0x1000;
	s9 =	simm.s32 $0x1  }
.LBB2_1:
0xe: {  	[tilespmem:s2], [sflag:$0x1] =	stream.strided.gather [hbm4b:s3+s7], $0x10000, s8, s7, $0x38;
	[tilespmem:$0x10000] =	vst v63  }
0xf: {  	_ =	swait.ge [sflag:s9], $0x10000  }
0x10: {  	[sflag:s9] =	ssyncset.done $0x0  }
0x11: {  	s12 =	simm.s32 $0x0;
	[sflag:s9] =	ssyncadd.s32 $0xFFFF0000  }
0x12: {  	v1 =	vld [tilespmem:s12+$0x0]  }
0x13: {  	v2 =	vld [tilespmem:s12+$0x10]  }
0x14: {  	v11 =	vld [tilespmem:s12+$0x20]  }
0x15: {  	v9 =	vld [tilespmem:s12+$0x30]  }
0x16: {  	v0 =	vimm.f32 $0.0e+00;
	v5 =	vimm.f32 $0.0e+00;
	v8 =	vld [tilespmem:s12+$0x40]  }
0x17: {  	v6 =	vimm.f32 $0.0e+00;
	v3 =	vimm.f32 $0.0e+00;
	v10 =	vld [tilespmem:s12+$0x50];
	v7 =	vadd.f32 v1, v0  }
0x18: {  	s13 =	simm.s32 $0x200;
	v12 =	vld [tilespmem:s12+$0x60];
	v4 =	vadd.f32 v2, v0;
	v2 =	vimm.f32 $0.0e+00;
	v1 =	vimm.f32 $0.0e+00  }
.LBB2_2:
0x19: {  	s14 =	sshra.s32 s13, $0x2;
	p0 =	sne.s32 s13, $0x3FE00;
	[tilespmem:s12+$0x0] =	vst v7;
	v0 =	vadd.f32 v11, v0;
	v13 =	vld [tilespmem:s12+$0x70]  }
0x1a: {  	v14 =	vld [tilespmem:s14+$0x0];
	[tilespmem:s12+$0x10] =	vst v4;
	v5 =	vadd.f32 v9, v5  }
0x1b: {  	v15 =	vld [tilespmem:s14+$0x10];
	[tilespmem:s12+$0x20] =	vst v0;
	v2 =	vadd.f32 v8, v2  }
.Ltmp0:
0x1c: {  	v11 =	vld [tilespmem:s14+$0x20];
	[tilespmem:s12+$0x30] =	vst v5;
	v6 =	vadd.f32 v10, v6;
	(pc) =	sbr.rel @p0 .LBB2_2-.Ltmp0, $4  }
0x1d: {  	v9 =	vld [tilespmem:s14+$0x30];
	[tilespmem:s12+$0x40] =	vst v2;
	v3 =	vadd.f32 v12, v3  }
0x1e: {  	v8 =	vld [tilespmem:s14+$0x40];
	[tilespmem:s12+$0x50] =	vst v6;
	v1 =	vadd.f32 v13, v1  }
0x1f: {  	v7 =	vadd.f32 v14, v7;
	v10 =	vld [tilespmem:s14+$0x50];
	[tilespmem:s12+$0x60] =	vst v3  }
0x20: {  	s13 =	sadd.s32 $0x200, s13;
	v4 =	vadd.f32 v15, v4;
	v12 =	vld [tilespmem:s14+$0x60];
	[tilespmem:s12+$0x70] =	vst v1;
	s12 =	smov.u32 s14  }
0x21: {  	[tilespmem:s12+$0x0] =	vst v7;
	v0 =	vadd.f32 v11, v0;
	v59 =	vld [tilespmem:s12+$0x70]  }
0x22: {  	[tilespmem:s12+$0x10] =	vst v4;
	v60 =	vadd.f32 v9, v5  }
0x23: {  	[tilespmem:s12+$0x20] =	vst v0;
	v61 =	vadd.f32 v8, v2  }
0x24: {  	[tilespmem:s12+$0x30] =	vst v60;
	v62 =	vadd.f32 v10, v6  }
0x25: {  	[tilespmem:s12+$0x40] =	vst v61;
	v63 =	vadd.f32 v12, v3  }
0x26: {  	[tilespmem:s12+$0x50] =	vst v62;
	v1 =	vadd.f32 v59, v1  }
0x27: {  	[tilespmem:s12+$0x60] =	vst v63  }
0x28: {  	[tilespmem:s12+$0x70] =	vst v1  }
0x29: {  	[hbm4b:s4+s7] =	stream.strided.scatter [tilespmem:s2], [sflag:$0x1], $0x10000, s8, s7, $0x38;
	[tilespmem:$0x10000] =	vst v63  }
0x2a: {  	s11 =	sadd.s32 $0x1, s11;
	_ =	swait.ge [sflag:s9], $0x10000  }
0x2b: {  	p0 =	sne.s32 s11, s6;
	[sflag:s9] =	ssyncset.done $0x0  }
.Ltmp1:
0x2c: {  	[sflag:s9] =	ssyncadd.s32 $0xFFFF0000;
	(pc) =	sbr.rel @p0 .LBB2_1-.Ltmp1, $4  }
0x2d: {  	[hbm4b:s5+s2] =	stream.linear.scatter [tilespmem:s10], [sflag:$0x1], $0x80, $0x38;
	[tilespmem:$0x10000] =	vst v63  }
0x2e: {  	_ =	swait.ge [sflag:s9], $0x80  }
0x2f: {  	[sflag:s9] =	ssyncset.done $0x0  }
0x30: {  	[sflag:s9] =	ssyncadd.s32 $0xFFFFFF80  }
0x31: {  	_ =	sfence.sel $0x180000  }
0x32: {  	[bflag:$0x0] =	sbarrier.arrive $0xFFFF  }
0x33: {  	p0 =	sne.s32 s1, $0x0;
	_ =	strace $0x90000047  }
0x34: {  	s0 =	sadd.s32 @!p0 $0x100000, s0;
	[bflag:$0x2] =	sbarrier.arrive $0xFFFF  }
0x35: {  	[sflag:s0] =	ssyncadd.tile.s32 @!p0 $0x1;
	_ =	shalt  }
.Lfunc_end2:
_tile_overlayer_lowered:
.L_overlay_start_2:
0x36: {  	(tag) =	ssettag $0x2  }
0x37: {  	s0 =	rddreg [dreg:$0x0];
	s2 =	stileid.u32  }
0x38: {  	s1 =	rddreg [dreg:$0x1];
	p0 =	sne.s32 s2, $0x0  }
0x39: {  	s3 =	rddreg [dreg:$0x2];
	[bflag:$0x3] =	sbarrier.arrive $0xFFFF;
	s2 =	simm.s32 @!p0 $0x1C01  }
0x3a: {  	[timem:s3], [sflag:s2] =	dma.local @!p0 [hbm:s0], s1  }
0x3b: {  	s0 =	simm.s32 @!p0 $0x1  }
0x3c: {  	_ =	swait.ge @!p0 [sflag:s0], s1  }
0x3d: {  	s1 =	ssub.s32 @!p0 $0x0, s1;
	[sflag:s0] =	ssyncset.done @!p0 $0x0  }
0x3e: {  	[sflag:s0] =	ssyncadd.s32 @!p0 s1  }
0x3f: {  	[bflag:$0x3] =	sbarrier.arrive $0xFFFF  }
0x40: {  	_ =	shalt  }

</sc_bundles>
